<compile_context>
chip_gen: v7x
topology: tpu7x:2x2x1
jax: 0.10.2.dev20260603
libtpu: 0.0.44.dev20260713+nightly
codegen_flags: <defaults>
</compile_context>

<pallas_src>
import functools
import jax
import jax.numpy as jnp
from jax import lax
from jax.experimental import pallas as pl
from jax.experimental.pallas import tpu as pltpu
from jax.experimental.pallas import tpu_sc as plsc

VOCAB = 1000
ROWS = 1024
SEQ = 50
PLANE = VOCAB * ROWS
TOTAL = SEQ * PLANE
ZCHUNK = 64000
NW = 32


def _sc_body(ids_hbm, mask_hbm, out_hbm, zbuf, ids_v, mask_v, addr_v,
             zsem, lsem, ssem):
    wid = lax.axis_index("s") * 2 + lax.axis_index("c")
    lo = wid * SEQ // NW
    hi = (wid + 1) * SEQ // NW

    def _zero_zbuf(k, _):
        zbuf[pl.ds(k * 16, 16)] = jnp.zeros((16,), jnp.float32)
        return _

    lax.fori_loop(0, ZCHUNK // 16, _zero_zbuf, 0)

    def _plane(p, _):
        off = p * PLANE
        zcopies = [
            pltpu.make_async_copy(
                zbuf, out_hbm.at[pl.ds(off + c * ZCHUNK, ZCHUNK)], zsem)
            for c in range(PLANE // ZCHUNK)
        ]
        for cp in zcopies:
            cp.start()

        pltpu.make_async_copy(ids_hbm.at[p], ids_v, lsem).start()
        pltpu.make_async_copy(mask_hbm.at[p], mask_v, lsem).start()
        pltpu.make_async_copy(ids_hbm.at[p], ids_v, lsem).wait()
        pltpu.make_async_copy(mask_hbm.at[p], mask_v, lsem).wait()

        def _addr(k, _):
            iv = ids_v[pl.ds(k * 16, 16)]
            lane = k * 16 + lax.iota(jnp.int32, 16)
            addr_v[pl.ds(k * 16, 16)] = (p * VOCAB + iv) * ROWS + lane
            return _

        lax.fori_loop(0, ROWS // 16, _addr, 0)

        for cp in zcopies:
            cp.wait()

        scopies = [
            pltpu.make_async_copy(
                mask_v.at[pl.ds(c * 128, 128)],
                out_hbm.at[addr_v.at[pl.ds(c * 128, 128)]],
                ssem)
            for c in range(ROWS // 128)
        ]
        for cp in scopies:
            cp.start()
        for cp in scopies:
            cp.wait()
        return _

    lax.fori_loop(lo, hi, _plane, 0)


def kernel(input_ids, attention_mask):
    ids_t = input_ids.astype(jnp.int32).T
    mask_t = attention_mask.astype(jnp.float32).T
    out_flat = pl.kernel(
        _sc_body,
        out_type=jax.ShapeDtypeStruct((TOTAL,), jnp.float32),
        mesh=plsc.VectorSubcoreMesh(core_axis_name="c", subcore_axis_name="s"),
        scratch_types=[
            pltpu.VMEM((ZCHUNK,), jnp.float32),
            pltpu.VMEM((ROWS,), jnp.int32),
            pltpu.VMEM((ROWS,), jnp.float32),
            pltpu.VMEM((ROWS,), jnp.int32),
            pltpu.SemaphoreType.DMA,
            pltpu.SemaphoreType.DMA,
            pltpu.SemaphoreType.DMA,
        ],
    )(ids_t, mask_t)
    return jnp.transpose(out_flat.reshape(SEQ, VOCAB, ROWS), (2, 0, 1))

# --- scband reference (transcript-rebuilt; emitter-appended) ---
"""Pipeline reference for scband-one-hot-model-32203664785591 (READ-ONLY COPY).

The authoritative reference and input builder live on the scoring server;
editing this copy changes nothing except your own understanding.
"""

import jax, jax.numpy as jnp
import numpy as np

VOCAB_SIZE = 1000

def setup_inputs(seed: int = 0) -> dict:
    key = jax.random.key(seed)
    k1, k2 = jax.random.split(key)
    input_ids = jax.random.randint(k1, (1024, 50), 0, VOCAB_SIZE, dtype=jnp.int64 if jax.config.jax_enable_x64 else jnp.int32)
    attention_mask = jnp.ones((1024, 50), dtype=jnp.float32)
    return {"input_ids": input_ids, "attention_mask": attention_mask}

def reference(input_ids, attention_mask):
    # Faithful translation of F.one_hot(input_ids, num_classes=vocab).float()
    one_hot = jax.nn.one_hot(input_ids, VOCAB_SIZE, dtype=jnp.float32)
    if attention_mask is not None:
        one_hot = one_hot * attention_mask[..., None]
    return one_hot

if __name__ == "__main__":
    import jax
    _d = setup_inputs()
    print(jax.jit(kernel)(*tuple(_d.values())))

</pallas_src>

<mosaic_0001>
#map = affine_map<(d0, d1) -> (0, 0)>
#map1 = affine_map<(d0, d1) -> (0)>
module attributes {stable_mosaic.version = 14 : i64} {
  func.func @_sc_body(%arg0: i32, %arg1: i32, %arg2: memref<50x1024xi32, #tpu.memory_space<hbm>>, %arg3: memref<50x1024xf32, #tpu.memory_space<hbm>>, %arg4: memref<51200000xf32, #tpu.memory_space<hbm>>, %arg5: memref<64000xf32, #tpu.memory_space<vmem>>, %arg6: memref<1024xi32, #tpu.memory_space<vmem>>, %arg7: memref<1024xf32, #tpu.memory_space<vmem>>, %arg8: memref<1024xi32, #tpu.memory_space<vmem>>, %arg9: memref<!tpu.dma_semaphore, #tpu.memory_space<semaphore_mem>>, %arg10: memref<!tpu.dma_semaphore, #tpu.memory_space<semaphore_mem>>, %arg11: memref<!tpu.dma_semaphore, #tpu.memory_space<semaphore_mem>>) attributes {dimension_semantics = [#tpu.dimension_semantics<core_parallel>, #tpu.dimension_semantics<subcore_parallel>], iteration_bounds = array<i64: 2, 16>, scalar_prefetch = 0 : i64, scratch_operands = 7 : i64, tpu.core_type = #tpu.core_type<sc_vector_subcore>, window_params = [{transform_indices = #map}, {transform_indices = #map}, {transform_indices = #map1}]} {
    %mul3A = arith.constant 2 : i32
    %mul3A_0 = arith.muli %arg1, %mul3A : i32
    %add3A = arith.addi %mul3A_0, %arg0 : i32
    %mul3A_1 = arith.constant 50 : i32
    %mul3A_2 = arith.muli %add3A, %mul3A_1 : i32
    %jit3A = arith.constant 32 : i32
    %div3A = arith.divsi %mul3A_2, %jit3A : i32
    %sign3A = arith.constant 0 : i32
    %sign3A_3 = arith.cmpi sgt, %mul3A_2, %sign3A : i32
    %sign3A_4 = arith.extui %sign3A_3 : i1 to i32
    %sign3A_5 = arith.constant 0 : i32
    %sign3A_6 = arith.cmpi slt, %mul3A_2, %sign3A_5 : i32
    %sign3A_7 = arith.extui %sign3A_6 : i1 to i32
    %sign3A_8 = arith.subi %sign3A_4, %sign3A_7 : i32
    %sign3A_9 = arith.constant 0 : i32
    %sign3A_10 = arith.cmpi sgt, %jit3A, %sign3A_9 : i32
    %sign3A_11 = arith.extui %sign3A_10 : i1 to i32
    %sign3A_12 = arith.constant 0 : i32
    %sign3A_13 = arith.cmpi slt, %jit3A, %sign3A_12 : i32
    %sign3A_14 = arith.extui %sign3A_13 : i1 to i32
    %sign3A_15 = arith.subi %sign3A_11, %sign3A_14 : i32
    %ne3A = arith.cmpi ne, %sign3A_8, %sign3A_15 : i32
    %rem3A = arith.remsi %mul3A_2, %jit3A : i32
    %ne3A_16 = arith.constant 0 : i32
    %ne3A_17 = arith.cmpi ne, %rem3A, %ne3A_16 : i32
    %and3A = arith.andi %ne3A, %ne3A_17 : i1
    %sub3A = arith.constant 1 : i32
    %sub3A_18 = arith.subi %div3A, %sub3A : i32
    %select_n3A = arith.select %and3A, %sub3A_18, %div3A : i32
    %add3A_19 = arith.constant 1 : i32
    %add3A_20 = arith.addi %add3A, %add3A_19 : i32
    %mul3A_21 = arith.constant 50 : i32
    %mul3A_22 = arith.muli %add3A_20, %mul3A_21 : i32
    %jit3A_23 = arith.constant 32 : i32
    %div3A_24 = arith.divsi %mul3A_22, %jit3A_23 : i32
    %sign3A_25 = arith.constant 0 : i32
    %sign3A_26 = arith.cmpi sgt, %mul3A_22, %sign3A_25 : i32
    %sign3A_27 = arith.extui %sign3A_26 : i1 to i32
    %sign3A_28 = arith.constant 0 : i32
    %sign3A_29 = arith.cmpi slt, %mul3A_22, %sign3A_28 : i32
    %sign3A_30 = arith.extui %sign3A_29 : i1 to i32
    %sign3A_31 = arith.subi %sign3A_27, %sign3A_30 : i32
    %sign3A_32 = arith.constant 0 : i32
    %sign3A_33 = arith.cmpi sgt, %jit3A_23, %sign3A_32 : i32
    %sign3A_34 = arith.extui %sign3A_33 : i1 to i32
    %sign3A_35 = arith.constant 0 : i32
    %sign3A_36 = arith.cmpi slt, %jit3A_23, %sign3A_35 : i32
    %sign3A_37 = arith.extui %sign3A_36 : i1 to i32
    %sign3A_38 = arith.subi %sign3A_34, %sign3A_37 : i32
    %ne3A_39 = arith.cmpi ne, %sign3A_31, %sign3A_38 : i32
    %rem3A_40 = arith.remsi %mul3A_22, %jit3A_23 : i32
    %ne3A_41 = arith.constant 0 : i32
    %ne3A_42 = arith.cmpi ne, %rem3A_40, %ne3A_41 : i32
    %and3A_43 = arith.andi %ne3A_39, %ne3A_42 : i1
    %sub3A_44 = arith.constant 1 : i32
    %sub3A_45 = arith.subi %div3A_24, %sub3A_44 : i32
    %select_n3A_46 = arith.select %and3A_43, %sub3A_45, %div3A_24 : i32
    %scan3A = arith.constant 0 : i32
    %scan3A_47 = arith.constant 0 : i32
    %scan3A_48 = arith.constant 4000 : i32
    %scan3A_49 = arith.addi %scan3A_47, %scan3A_48 : i32
    %scan3A_50 = arith.constant 1 : i32
    scf.for %scan3A_60 = %scan3A_47 to %scan3A_49 step %scan3A_50  : i32 {
      %broadcast_in_dim3A = arith.constant 0.000000e+00 : f32
      %broadcast_in_dim3A_61 = vector.broadcast %broadcast_in_dim3A : f32 to vector<16xf32>
      %mul3A_62 = arith.constant 16 : i32
      %mul3A_63 = arith.muli %scan3A_60, %mul3A_62 : i32
      %swap3A = arith.index_cast %mul3A_63 : i32 to index
      %swap3A_64 = tpu.vector_load %arg5[%swap3A] {strides = array<i32>} : memref<64000xf32, #tpu.memory_space<vmem>>, vector<16xf32>,
      %swap3A_65 = vector.shape_cast %swap3A_64 : vector<16xf32> to vector<16xf32>
      %swap3A_66 = vector.shape_cast %broadcast_in_dim3A_61 : vector<16xf32> to vector<16xf32>
      tpu.vector_store %arg5[%swap3A], %swap3A_66 {strides = array<i32>} : memref<64000xf32, #tpu.memory_space<vmem>>, vector<16xf32>,
    }
    %scan3A_51 = arith.constant 4000 : i32
    %while3A = arith.constant 0 : i32
    %while3A_52 = arith.subi %select_n3A_46, %select_n3A : i32
    %while3A_53 = arith.addi %select_n3A, %while3A_52 : i32
    %while3A_54 = arith.constant 1 : i32
    %while3A_55 = arith.divsi %while3A_52, %while3A_54 : i32
    %while3A_56 = arith.muli %while3A_55, %while3A_54 : i32
    %while3A_57 = arith.addi %select_n3A, %while3A_56 : i32
    %while3A_58 = arith.constant 1 : i32
    scf.for %while3A_60 = %select_n3A to %while3A_57 step %while3A_58  : i32 {
      %mul3A_61 = arith.constant 1024000 : i32
      %mul3A_62 = arith.muli %while3A_60, %mul3A_61 : i32
      %add3A_63 = arith.constant 0 : i32
      %add3A_64 = arith.addi %mul3A_62, %add3A_63 : i32
      %add3A_65 = arith.constant 64000 : i32
      %add3A_66 = arith.addi %mul3A_62, %add3A_65 : i32
      %add3A_67 = arith.constant 128000 : i32
      %add3A_68 = arith.addi %mul3A_62, %add3A_67 : i32
      %add3A_69 = arith.constant 192000 : i32
      %add3A_70 = arith.addi %mul3A_62, %add3A_69 : i32
      %add3A_71 = arith.constant 256000 : i32
      %add3A_72 = arith.addi %mul3A_62, %add3A_71 : i32
      %add3A_73 = arith.constant 320000 : i32
      %add3A_74 = arith.addi %mul3A_62, %add3A_73 : i32
      %add3A_75 = arith.constant 384000 : i32
      %add3A_76 = arith.addi %mul3A_62, %add3A_75 : i32
      %add3A_77 = arith.constant 448000 : i32
      %add3A_78 = arith.addi %mul3A_62, %add3A_77 : i32
      %add3A_79 = arith.constant 512000 : i32
      %add3A_80 = arith.addi %mul3A_62, %add3A_79 : i32
      %add3A_81 = arith.constant 576000 : i32
      %add3A_82 = arith.addi %mul3A_62, %add3A_81 : i32
      %add3A_83 = arith.constant 640000 : i32
      %add3A_84 = arith.addi %mul3A_62, %add3A_83 : i32
      %add3A_85 = arith.constant 704000 : i32
      %add3A_86 = arith.addi %mul3A_62, %add3A_85 : i32
      %add3A_87 = arith.constant 768000 : i32
      %add3A_88 = arith.addi %mul3A_62, %add3A_87 : i32
      %add3A_89 = arith.constant 832000 : i32
      %add3A_90 = arith.addi %mul3A_62, %add3A_89 : i32
      %add3A_91 = arith.constant 896000 : i32
      %add3A_92 = arith.addi %mul3A_62, %add3A_91 : i32
      %add3A_93 = arith.constant 960000 : i32
      %add3A_94 = arith.addi %mul3A_62, %add3A_93 : i32
      %dma_start3A = tpu.memref_slice %arg4[%add3A_64] : memref<51200000xf32, #tpu.memory_space<hbm>> -> memref<64000xf32, #tpu.memory_space<hbm>>
      %dma_start3A_95 = tpu.memref_slice %arg4[%add3A_64] : memref<51200000xf32, #tpu.memory_space<hbm>> -> memref<64000xf32, #tpu.memory_space<hbm>>
      tpu.enqueue_dma source(%arg5 : memref<64000xf32, #tpu.memory_space<vmem>>) target(%dma_start3A_95 : memref<64000xf32, #tpu.memory_space<hbm>>) target_semaphore(%arg9 : memref<!tpu.dma_semaphore, #tpu.memory_space<semaphore_mem>>)
      %dma_start3A_96 = tpu.memref_slice %arg4[%add3A_66] : memref<51200000xf32, #tpu.memory_space<hbm>> -> memref<64000xf32, #tpu.memory_space<hbm>>
      %dma_start3A_97 = tpu.memref_slice %arg4[%add3A_66] : memref<51200000xf32, #tpu.memory_space<hbm>> -> memref<64000xf32, #tpu.memory_space<hbm>>
      tpu.enqueue_dma source(%arg5 : memref<64000xf32, #tpu.memory_space<vmem>>) target(%dma_start3A_97 : memref<64000xf32, #tpu.memory_space<hbm>>) target_semaphore(%arg9 : memref<!tpu.dma_semaphore, #tpu.memory_space<semaphore_mem>>)
      %dma_start3A_98 = tpu.memref_slice %arg4[%add3A_68] : memref<51200000xf32, #tpu.memory_space<hbm>> -> memref<64000xf32, #tpu.memory_space<hbm>>
      %dma_start3A_99 = tpu.memref_slice %arg4[%add3A_68] : memref<51200000xf32, #tpu.memory_space<hbm>> -> memref<64000xf32, #tpu.memory_space<hbm>>
      tpu.enqueue_dma source(%arg5 : memref<64000xf32, #tpu.memory_space<vmem>>) target(%dma_start3A_99 : memref<64000xf32, #tpu.memory_space<hbm>>) target_semaphore(%arg9 : memref<!tpu.dma_semaphore, #tpu.memory_space<semaphore_mem>>)
      %dma_start3A_100 = tpu.memref_slice %arg4[%add3A_70] : memref<51200000xf32, #tpu.memory_space<hbm>> -> memref<64000xf32, #tpu.memory_space<hbm>>
      %dma_start3A_101 = tpu.memref_slice %arg4[%add3A_70] : memref<51200000xf32, #tpu.memory_space<hbm>> -> memref<64000xf32, #tpu.memory_space<hbm>>
      tpu.enqueue_dma source(%arg5 : memref<64000xf32, #tpu.memory_space<vmem>>) target(%dma_start3A_101 : memref<64000xf32, #tpu.memory_space<hbm>>) target_semaphore(%arg9 : memref<!tpu.dma_semaphore, #tpu.memory_space<semaphore_mem>>)
      %dma_start3A_102 = tpu.memref_slice %arg4[%add3A_72] : memref<51200000xf32, #tpu.memory_space<hbm>> -> memref<64000xf32, #tpu.memory_space<hbm>>
      %dma_start3A_103 = tpu.memref_slice %arg4[%add3A_72] : memref<51200000xf32, #tpu.memory_space<hbm>> -> memref<64000xf32, #tpu.memory_space<hbm>>
      tpu.enqueue_dma source(%arg5 : memref<64000xf32, #tpu.memory_space<vmem>>) target(%dma_start3A_103 : memref<64000xf32, #tpu.memory_space<hbm>>) target_semaphore(%arg9 : memref<!tpu.dma_semaphore, #tpu.memory_space<semaphore_mem>>)
      %dma_start3A_104 = tpu.memref_slice %arg4[%add3A_74] : memref<51200000xf32, #tpu.memory_space<hbm>> -> memref<64000xf32, #tpu.memory_space<hbm>>
      %dma_start3A_105 = tpu.memref_slice %arg4[%add3A_74] : memref<51200000xf32, #tpu.memory_space<hbm>> -> memref<64000xf32, #tpu.memory_space<hbm>>
      tpu.enqueue_dma source(%arg5 : memref<64000xf32, #tpu.memory_space<vmem>>) target(%dma_start3A_105 : memref<64000xf32, #tpu.memory_space<hbm>>) target_semaphore(%arg9 : memref<!tpu.dma_semaphore, #tpu.memory_space<semaphore_mem>>)
      %dma_start3A_106 = tpu.memref_slice %arg4[%add3A_76] : memref<51200000xf32, #tpu.memory_space<hbm>> -> memref<64000xf32, #tpu.memory_space<hbm>>
      %dma_start3A_107 = tpu.memref_slice %arg4[%add3A_76] : memref<51200000xf32, #tpu.memory_space<hbm>> -> memref<64000xf32, #tpu.memory_space<hbm>>
      tpu.enqueue_dma source(%arg5 : memref<64000xf32, #tpu.memory_space<vmem>>) target(%dma_start3A_107 : memref<64000xf32, #tpu.memory_space<hbm>>) target_semaphore(%arg9 : memref<!tpu.dma_semaphore, #tpu.memory_space<semaphore_mem>>)
      %dma_start3A_108 = tpu.memref_slice %arg4[%add3A_78] : memref<51200000xf32, #tpu.memory_space<hbm>> -> memref<64000xf32, #tpu.memory_space<hbm>>
      %dma_start3A_109 = tpu.memref_slice %arg4[%add3A_78] : memref<51200000xf32, #tpu.memory_space<hbm>> -> memref<64000xf32, #tpu.memory_space<hbm>>
      tpu.enqueue_dma source(%arg5 : memref<64000xf32, #tpu.memory_space<vmem>>) target(%dma_start3A_109 : memref<64000xf32, #tpu.memory_space<hbm>>) target_semaphore(%arg9 : memref<!tpu.dma_semaphore, #tpu.memory_space<semaphore_mem>>)
      %dma_start3A_110 = tpu.memref_slice %arg4[%add3A_80] : memref<51200000xf32, #tpu.memory_space<hbm>> -> memref<64000xf32, #tpu.memory_space<hbm>>
      %dma_start3A_111 = tpu.memref_slice %arg4[%add3A_80] : memref<51200000xf32, #tpu.memory_space<hbm>> -> memref<64000xf32, #tpu.memory_space<hbm>>
      tpu.enqueue_dma source(%arg5 : memref<64000xf32, #tpu.memory_space<vmem>>) target(%dma_start3A_111 : memref<64000xf32, #tpu.memory_space<hbm>>) target_semaphore(%arg9 : memref<!tpu.dma_semaphore, #tpu.memory_space<semaphore_mem>>)
      %dma_start3A_112 = tpu.memref_slice %arg4[%add3A_82] : memref<51200000xf32, #tpu.memory_space<hbm>> -> memref<64000xf32, #tpu.memory_space<hbm>>
      %dma_start3A_113 = tpu.memref_slice %arg4[%add3A_82] : memref<51200000xf32, #tpu.memory_space<hbm>> -> memref<64000xf32, #tpu.memory_space<hbm>>
      tpu.enqueue_dma source(%arg5 : memref<64000xf32, #tpu.memory_space<vmem>>) target(%dma_start3A_113 : memref<64000xf32, #tpu.memory_space<hbm>>) target_semaphore(%arg9 : memref<!tpu.dma_semaphore, #tpu.memory_space<semaphore_mem>>)
      %dma_start3A_114 = tpu.memref_slice %arg4[%add3A_84] : memref<51200000xf32, #tpu.memory_space<hbm>> -> memref<64000xf32, #tpu.memory_space<hbm>>
      %dma_start3A_115 = tpu.memref_slice %arg4[%add3A_84] : memref<51200000xf32, #tpu.memory_space<hbm>> -> memref<64000xf32, #tpu.memory_space<hbm>>
      tpu.enqueue_dma source(%arg5 : memref<64000xf32, #tpu.memory_space<vmem>>) target(%dma_start3A_115 : memref<64000xf32, #tpu.memory_space<hbm>>) target_semaphore(%arg9 : memref<!tpu.dma_semaphore, #tpu.memory_space<semaphore_mem>>)
      %dma_start3A_116 = tpu.memref_slice %arg4[%add3A_86] : memref<51200000xf32, #tpu.memory_space<hbm>> -> memref<64000xf32, #tpu.memory_space<hbm>>
      %dma_start3A_117 = tpu.memref_slice %arg4[%add3A_86] : memref<51200000xf32, #tpu.memory_space<hbm>> -> memref<64000xf32, #tpu.memory_space<hbm>>
      tpu.enqueue_dma source(%arg5 : memref<64000xf32, #tpu.memory_space<vmem>>) target(%dma_start3A_117 : memref<64000xf32, #tpu.memory_space<hbm>>) target_semaphore(%arg9 : memref<!tpu.dma_semaphore, #tpu.memory_space<semaphore_mem>>)
      %dma_start3A_118 = tpu.memref_slice %arg4[%add3A_88] : memref<51200000xf32, #tpu.memory_space<hbm>> -> memref<64000xf32, #tpu.memory_space<hbm>>
      %dma_start3A_119 = tpu.memref_slice %arg4[%add3A_88] : memref<51200000xf32, #tpu.memory_space<hbm>> -> memref<64000xf32, #tpu.memory_space<hbm>>
      tpu.enqueue_dma source(%arg5 : memref<64000xf32, #tpu.memory_space<vmem>>) target(%dma_start3A_119 : memref<64000xf32, #tpu.memory_space<hbm>>) target_semaphore(%arg9 : memref<!tpu.dma_semaphore, #tpu.memory_space<semaphore_mem>>)
      %dma_start3A_120 = tpu.memref_slice %arg4[%add3A_90] : memref<51200000xf32, #tpu.memory_space<hbm>> -> memref<64000xf32, #tpu.memory_space<hbm>>
      %dma_start3A_121 = tpu.memref_slice %arg4[%add3A_90] : memref<51200000xf32, #tpu.memory_space<hbm>> -> memref<64000xf32, #tpu.memory_space<hbm>>
      tpu.enqueue_dma source(%arg5 : memref<64000xf32, #tpu.memory_space<vmem>>) target(%dma_start3A_121 : memref<64000xf32, #tpu.memory_space<hbm>>) target_semaphore(%arg9 : memref<!tpu.dma_semaphore, #tpu.memory_space<semaphore_mem>>)
      %dma_start3A_122 = tpu.memref_slice %arg4[%add3A_92] : memref<51200000xf32, #tpu.memory_space<hbm>> -> memref<64000xf32, #tpu.memory_space<hbm>>
      %dma_start3A_123 = tpu.memref_slice %arg4[%add3A_92] : memref<51200000xf32, #tpu.memory_space<hbm>> -> memref<64000xf32, #tpu.memory_space<hbm>>
      tpu.enqueue_dma source(%arg5 : memref<64000xf32, #tpu.memory_space<vmem>>) target(%dma_start3A_123 : memref<64000xf32, #tpu.memory_space<hbm>>) target_semaphore(%arg9 : memref<!tpu.dma_semaphore, #tpu.memory_space<semaphore_mem>>)
      %dma_start3A_124 = tpu.memref_slice %arg4[%add3A_94] : memref<51200000xf32, #tpu.memory_space<hbm>> -> memref<64000xf32, #tpu.memory_space<hbm>>
      %dma_start3A_125 = tpu.memref_slice %arg4[%add3A_94] : memref<51200000xf32, #tpu.memory_space<hbm>> -> memref<64000xf32, #tpu.memory_space<hbm>>
      tpu.enqueue_dma source(%arg5 : memref<64000xf32, #tpu.memory_space<vmem>>) target(%dma_start3A_125 : memref<64000xf32, #tpu.memory_space<hbm>>) target_semaphore(%arg9 : memref<!tpu.dma_semaphore, #tpu.memory_space<semaphore_mem>>)
      %dma_start3A_126 = arith.constant 0 : i32
      %dma_start3A_127 = tpu.memref_slice %arg2[%while3A_60, %dma_start3A_126] : memref<50x1024xi32, #tpu.memory_space<hbm>> -> memref<1x1024xi32, #tpu.memory_space<hbm>>
      %dma_start3A_128 = tpu.memref_squeeze %dma_start3A_127 : memref<1x1024xi32, #tpu.memory_space<hbm>> -> memref<1024xi32, #tpu.memory_space<hbm>>
      %dma_start3A_129 = arith.constant 0 : i32
      %dma_start3A_130 = tpu.memref_slice %arg2[%while3A_60, %dma_start3A_129] : memref<50x1024xi32, #tpu.memory_space<hbm>> -> memref<1x1024xi32, #tpu.memory_space<hbm>>
      %dma_start3A_131 = tpu.memref_squeeze %dma_start3A_130 : memref<1x1024xi32, #tpu.memory_space<hbm>> -> memref<1024xi32, #tpu.memory_space<hbm>>
      tpu.enqueue_dma source(%dma_start3A_131 : memref<1024xi32, #tpu.memory_space<hbm>>) target(%arg6 : memref<1024xi32, #tpu.memory_space<vmem>>) target_semaphore(%arg10 : memref<!tpu.dma_semaphore, #tpu.memory_space<semaphore_mem>>)
      %dma_start3A_132 = arith.constant 0 : i32
      %dma_start3A_133 = tpu.memref_slice %arg3[%while3A_60, %dma_start3A_132] : memref<50x1024xf32, #tpu.memory_space<hbm>> -> memref<1x1024xf32, #tpu.memory_space<hbm>>
      %dma_start3A_134 = tpu.memref_squeeze %dma_start3A_133 : memref<1x1024xf32, #tpu.memory_space<hbm>> -> memref<1024xf32, #tpu.memory_space<hbm>>
      %dma_start3A_135 = arith.constant 0 : i32
      %dma_start3A_136 = tpu.memref_slice %arg3[%while3A_60, %dma_start3A_135] : memref<50x1024xf32, #tpu.memory_space<hbm>> -> memref<1x1024xf32, #tpu.memory_space<hbm>>
      %dma_start3A_137 = tpu.memref_squeeze %dma_start3A_136 : memref<1x1024xf32, #tpu.memory_space<hbm>> -> memref<1024xf32, #tpu.memory_space<hbm>>
      tpu.enqueue_dma source(%dma_start3A_137 : memref<1024xf32, #tpu.memory_space<hbm>>) target(%arg7 : memref<1024xf32, #tpu.memory_space<vmem>>) target_semaphore(%arg10 : memref<!tpu.dma_semaphore, #tpu.memory_space<semaphore_mem>>)
      %dma_wait3A = arith.constant 0 : i32
      %dma_wait3A_138 = tpu.memref_slice %arg2[%while3A_60, %dma_wait3A] : memref<50x1024xi32, #tpu.memory_space<hbm>> -> memref<1x1024xi32, #tpu.memory_space<hbm>>
      %dma_wait3A_139 = tpu.memref_squeeze %dma_wait3A_138 : memref<1x1024xi32, #tpu.memory_space<hbm>> -> memref<1024xi32, #tpu.memory_space<hbm>>
      %dma_wait3A_140 = arith.constant 0 : i32
      %dma_wait3A_141 = tpu.memref_slice %arg2[%while3A_60, %dma_wait3A_140] : memref<50x1024xi32, #tpu.memory_space<hbm>> -> memref<1x1024xi32, #tpu.memory_space<hbm>>
      %dma_wait3A_142 = tpu.memref_squeeze %dma_wait3A_141 : memref<1x1024xi32, #tpu.memory_space<hbm>> -> memref<1024xi32, #tpu.memory_space<hbm>>
      tpu.wait_dma2 semaphore(%arg10 : memref<!tpu.dma_semaphore, #tpu.memory_space<semaphore_mem>>) src(%dma_wait3A_142 : memref<1024xi32, #tpu.memory_space<hbm>>) dst(%arg6 : memref<1024xi32, #tpu.memory_space<vmem>>)
      %dma_wait3A_143 = arith.constant 0 : i32
      %dma_wait3A_144 = tpu.memref_slice %arg3[%while3A_60, %dma_wait3A_143] : memref<50x1024xf32, #tpu.memory_space<hbm>> -> memref<1x1024xf32, #tpu.memory_space<hbm>>
      %dma_wait3A_145 = tpu.memref_squeeze %dma_wait3A_144 : memref<1x1024xf32, #tpu.memory_space<hbm>> -> memref<1024xf32, #tpu.memory_space<hbm>>
      %dma_wait3A_146 = arith.constant 0 : i32
      %dma_wait3A_147 = tpu.memref_slice %arg3[%while3A_60, %dma_wait3A_146] : memref<50x1024xf32, #tpu.memory_space<hbm>> -> memref<1x1024xf32, #tpu.memory_space<hbm>>
      %dma_wait3A_148 = tpu.memref_squeeze %dma_wait3A_147 : memref<1x1024xf32, #tpu.memory_space<hbm>> -> memref<1024xf32, #tpu.memory_space<hbm>>
      tpu.wait_dma2 semaphore(%arg10 : memref<!tpu.dma_semaphore, #tpu.memory_space<semaphore_mem>>) src(%dma_wait3A_148 : memref<1024xf32, #tpu.memory_space<hbm>>) dst(%arg7 : memref<1024xf32, #tpu.memory_space<vmem>>)
      %scan3A_149 = arith.constant 0 : i32
      %scan3A_150 = arith.constant 0 : i32
      %scan3A_151 = arith.constant 64 : i32
      %scan3A_152 = arith.addi %scan3A_150, %scan3A_151 : i32
      %scan3A_153 = arith.constant 1 : i32
      scf.for %scan3A_283 = %scan3A_150 to %scan3A_152 step %scan3A_153  : i32 {
        %mul3A_284 = arith.constant 16 : i32
        %mul3A_285 = arith.muli %scan3A_283, %mul3A_284 : i32
        %get3A = arith.index_cast %mul3A_285 : i32 to index
        %get3A_286 = tpu.vector_load %arg6[%get3A] {strides = array<i32>} : memref<1024xi32, #tpu.memory_space<vmem>>, vector<16xi32>,
        %get3A_287 = vector.shape_cast %get3A_286 : vector<16xi32> to vector<16xi32>
        %mul3A_288 = arith.constant 16 : i32
        %mul3A_289 = arith.muli %scan3A_283, %mul3A_288 : i32
        %iota3A = tpu.iota {dimensions = array<i32: 0>} : vector<16xi32>
        %add3A_290 = vector.broadcast %mul3A_289 : i32 to vector<16xi32>
        %add3A_291 = arith.addi %add3A_290, %iota3A : vector<16xi32>
        %mul3A_292 = arith.constant 1000 : i32
        %mul3A_293 = arith.muli %while3A_60, %mul3A_292 : i32
        %add3A_294 = vector.broadcast %mul3A_293 : i32 to vector<16xi32>
        %add3A_295 = arith.addi %add3A_294, %get3A_287 : vector<16xi32>
        %mul3A_296 = arith.constant 1024 : i32
        %mul3A_297 = vector.broadcast %mul3A_296 : i32 to vector<16xi32>
        %mul3A_298 = arith.muli %add3A_295, %mul3A_297 : vector<16xi32>
        %add3A_299 = arith.addi %mul3A_298, %add3A_291 : vector<16xi32>
        %mul3A_300 = arith.constant 16 : i32
        %mul3A_301 = arith.muli %scan3A_283, %mul3A_300 : i32
        %swap3A = arith.index_cast %mul3A_301 : i32 to index
        %swap3A_302 = tpu.vector_load %arg8[%swap3A] {strides = array<i32>} : memref<1024xi32, #tpu.memory_space<vmem>>, vector<16xi32>,
        %swap3A_303 = vector.shape_cast %swap3A_302 : vector<16xi32> to vector<16xi32>
        %swap3A_304 = vector.shape_cast %add3A_299 : vector<16xi32> to vector<16xi32>
        tpu.vector_store %arg8[%swap3A], %swap3A_304 {strides = array<i32>} : memref<1024xi32, #tpu.memory_space<vmem>>, vector<16xi32>,
      }
      %scan3A_154 = arith.constant 64 : i32
      %dma_wait3A_155 = tpu.memref_slice %arg4[%add3A_64] : memref<51200000xf32, #tpu.memory_space<hbm>> -> memref<64000xf32, #tpu.memory_space<hbm>>
      %dma_wait3A_156 = tpu.memref_slice %arg4[%add3A_64] : memref<51200000xf32, #tpu.memory_space<hbm>> -> memref<64000xf32, #tpu.memory_space<hbm>>
      tpu.wait_dma2 semaphore(%arg9 : memref<!tpu.dma_semaphore, #tpu.memory_space<semaphore_mem>>) src(%arg5 : memref<64000xf32, #tpu.memory_space<vmem>>) dst(%dma_wait3A_156 : memref<64000xf32, #tpu.memory_space<hbm>>)
      %dma_wait3A_157 = tpu.memref_slice %arg4[%add3A_66] : memref<51200000xf32, #tpu.memory_space<hbm>> -> memref<64000xf32, #tpu.memory_space<hbm>>
      %dma_wait3A_158 = tpu.memref_slice %arg4[%add3A_66] : memref<51200000xf32, #tpu.memory_space<hbm>> -> memref<64000xf32, #tpu.memory_space<hbm>>
      tpu.wait_dma2 semaphore(%arg9 : memref<!tpu.dma_semaphore, #tpu.memory_space<semaphore_mem>>) src(%arg5 : memref<64000xf32, #tpu.memory_space<vmem>>) dst(%dma_wait3A_158 : memref<64000xf32, #tpu.memory_space<hbm>>)
      %dma_wait3A_159 = tpu.memref_slice %arg4[%add3A_68] : memref<51200000xf32, #tpu.memory_space<hbm>> -> memref<64000xf32, #tpu.memory_space<hbm>>
      %dma_wait3A_160 = tpu.memref_slice %arg4[%add3A_68] : memref<51200000xf32, #tpu.memory_space<hbm>> -> memref<64000xf32, #tpu.memory_space<hbm>>
      tpu.wait_dma2 semaphore(%arg9 : memref<!tpu.dma_semaphore, #tpu.memory_space<semaphore_mem>>) src(%arg5 : memref<64000xf32, #tpu.memory_space<vmem>>) dst(%dma_wait3A_160 : memref<64000xf32, #tpu.memory_space<hbm>>)
      %dma_wait3A_161 = tpu.memref_slice %arg4[%add3A_70] : memref<51200000xf32, #tpu.memory_space<hbm>> -> memref<64000xf32, #tpu.memory_space<hbm>>
      %dma_wait3A_162 = tpu.memref_slice %arg4[%add3A_70] : memref<51200000xf32, #tpu.memory_space<hbm>> -> memref<64000xf32, #tpu.memory_space<hbm>>
      tpu.wait_dma2 semaphore(%arg9 : memref<!tpu.dma_semaphore, #tpu.memory_space<semaphore_mem>>) src(%arg5 : memref<64000xf32, #tpu.memory_space<vmem>>) dst(%dma_wait3A_162 : memref<64000xf32, #tpu.memory_space<hbm>>)
      %dma_wait3A_163 = tpu.memref_slice %arg4[%add3A_72] : memref<51200000xf32, #tpu.memory_space<hbm>> -> memref<64000xf32, #tpu.memory_space<hbm>>
      %dma_wait3A_164 = tpu.memref_slice %arg4[%add3A_72] : memref<51200000xf32, #tpu.memory_space<hbm>> -> memref<64000xf32, #tpu.memory_space<hbm>>
      tpu.wait_dma2 semaphore(%arg9 : memref<!tpu.dma_semaphore, #tpu.memory_space<semaphore_mem>>) src(%arg5 : memref<64000xf32, #tpu.memory_space<vmem>>) dst(%dma_wait3A_164 : memref<64000xf32, #tpu.memory_space<hbm>>)
      %dma_wait3A_165 = tpu.memref_slice %arg4[%add3A_74] : memref<51200000xf32, #tpu.memory_space<hbm>> -> memref<64000xf32, #tpu.memory_space<hbm>>
      %dma_wait3A_166 = tpu.memref_slice %arg4[%add3A_74] : memref<51200000xf32, #tpu.memory_space<hbm>> -> memref<64000xf32, #tpu.memory_space<hbm>>
      tpu.wait_dma2 semaphore(%arg9 : memref<!tpu.dma_semaphore, #tpu.memory_space<semaphore_mem>>) src(%arg5 : memref<64000xf32, #tpu.memory_space<vmem>>) dst(%dma_wait3A_166 : memref<64000xf32, #tpu.memory_space<hbm>>)
      %dma_wait3A_167 = tpu.memref_slice %arg4[%add3A_76] : memref<51200000xf32, #tpu.memory_space<hbm>> -> memref<64000xf32, #tpu.memory_space<hbm>>
      %dma_wait3A_168 = tpu.memref_slice %arg4[%add3A_76] : memref<51200000xf32, #tpu.memory_space<hbm>> -> memref<64000xf32, #tpu.memory_space<hbm>>
      tpu.wait_dma2 semaphore(%arg9 : memref<!tpu.dma_semaphore, #tpu.memory_space<semaphore_mem>>) src(%arg5 : memref<64000xf32, #tpu.memory_space<vmem>>) dst(%dma_wait3A_168 : memref<64000xf32, #tpu.memory_space<hbm>>)
      %dma_wait3A_169 = tpu.memref_slice %arg4[%add3A_78] : memref<51200000xf32, #tpu.memory_space<hbm>> -> memref<64000xf32, #tpu.memory_space<hbm>>
      %dma_wait3A_170 = tpu.memref_slice %arg4[%add3A_78] : memref<51200000xf32, #tpu.memory_space<hbm>> -> memref<64000xf32, #tpu.memory_space<hbm>>
      tpu.wait_dma2 semaphore(%arg9 : memref<!tpu.dma_semaphore, #tpu.memory_space<semaphore_mem>>) src(%arg5 : memref<64000xf32, #tpu.memory_space<vmem>>) dst(%dma_wait3A_170 : memref<64000xf32, #tpu.memory_space<hbm>>)
      %dma_wait3A_171 = tpu.memref_slice %arg4[%add3A_80] : memref<51200000xf32, #tpu.memory_space<hbm>> -> memref<64000xf32, #tpu.memory_space<hbm>>
      %dma_wait3A_172 = tpu.memref_slice %arg4[%add3A_80] : memref<51200000xf32, #tpu.memory_space<hbm>> -> memref<64000xf32, #tpu.memory_space<hbm>>
      tpu.wait_dma2 semaphore(%arg9 : memref<!tpu.dma_semaphore, #tpu.memory_space<semaphore_mem>>) src(%arg5 : memref<64000xf32, #tpu.memory_space<vmem>>) dst(%dma_wait3A_172 : memref<64000xf32, #tpu.memory_space<hbm>>)
      %dma_wait3A_173 = tpu.memref_slice %arg4[%add3A_82] : memref<51200000xf32, #tpu.memory_space<hbm>> -> memref<64000xf32, #tpu.memory_space<hbm>>
      %dma_wait3A_174 = tpu.memref_slice %arg4[%add3A_82] : memref<51200000xf32, #tpu.memory_space<hbm>> -> memref<64000xf32, #tpu.memory_space<hbm>>
      tpu.wait_dma2 semaphore(%arg9 : memref<!tpu.dma_semaphore, #tpu.memory_space<semaphore_mem>>) src(%arg5 : memref<64000xf32, #tpu.memory_space<vmem>>) dst(%dma_wait3A_174 : memref<64000xf32, #tpu.memory_space<hbm>>)
      %dma_wait3A_175 = tpu.memref_slice %arg4[%add3A_84] : memref<51200000xf32, #tpu.memory_space<hbm>> -> memref<64000xf32, #tpu.memory_space<hbm>>
      %dma_wait3A_176 = tpu.memref_slice %arg4[%add3A_84] : memref<51200000xf32, #tpu.memory_space<hbm>> -> memref<64000xf32, #tpu.memory_space<hbm>>
      tpu.wait_dma2 semaphore(%arg9 : memref<!tpu.dma_semaphore, #tpu.memory_space<semaphore_mem>>) src(%arg5 : memref<64000xf32, #tpu.memory_space<vmem>>) dst(%dma_wait3A_176 : memref<64000xf32, #tpu.memory_space<hbm>>)
      %dma_wait3A_177 = tpu.memref_slice %arg4[%add3A_86] : memref<51200000xf32, #tpu.memory_space<hbm>> -> memref<64000xf32, #tpu.memory_space<hbm>>
      %dma_wait3A_178 = tpu.memref_slice %arg4[%add3A_86] : memref<51200000xf32, #tpu.memory_space<hbm>> -> memref<64000xf32, #tpu.memory_space<hbm>>
      tpu.wait_dma2 semaphore(%arg9 : memref<!tpu.dma_semaphore, #tpu.memory_space<semaphore_mem>>) src(%arg5 : memref<64000xf32, #tpu.memory_space<vmem>>) dst(%dma_wait3A_178 : memref<64000xf32, #tpu.memory_space<hbm>>)
      %dma_wait3A_179 = tpu.memref_slice %arg4[%add3A_88] : memref<51200000xf32, #tpu.memory_space<hbm>> -> memref<64000xf32, #tpu.memory_space<hbm>>
      %dma_wait3A_180 = tpu.memref_slice %arg4[%add3A_88] : memref<51200000xf32, #tpu.memory_space<hbm>> -> memref<64000xf32, #tpu.memory_space<hbm>>
      tpu.wait_dma2 semaphore(%arg9 : memref<!tpu.dma_semaphore, #tpu.memory_space<semaphore_mem>>) src(%arg5 : memref<64000xf32, #tpu.memory_space<vmem>>) dst(%dma_wait3A_180 : memref<64000xf32, #tpu.memory_space<hbm>>)
      %dma_wait3A_181 = tpu.memref_slice %arg4[%add3A_90] : memref<51200000xf32, #tpu.memory_space<hbm>> -> memref<64000xf32, #tpu.memory_space<hbm>>
      %dma_wait3A_182 = tpu.memref_slice %arg4[%add3A_90] : memref<51200000xf32, #tpu.memory_space<hbm>> -> memref<64000xf32, #tpu.memory_space<hbm>>
      tpu.wait_dma2 semaphore(%arg9 : memref<!tpu.dma_semaphore, #tpu.memory_space<semaphore_mem>>) src(%arg5 : memref<64000xf32, #tpu.memory_space<vmem>>) dst(%dma_wait3A_182 : memref<64000xf32, #tpu.memory_space<hbm>>)
      %dma_wait3A_183 = tpu.memref_slice %arg4[%add3A_92] : memref<51200000xf32, #tpu.memory_space<hbm>> -> memref<64000xf32, #tpu.memory_space<hbm>>
      %dma_wait3A_184 = tpu.memref_slice %arg4[%add3A_92] : memref<51200000xf32, #tpu.memory_space<hbm>> -> memref<64000xf32, #tpu.memory_space<hbm>>
      tpu.wait_dma2 semaphore(%arg9 : memref<!tpu.dma_semaphore, #tpu.memory_space<semaphore_mem>>) src(%arg5 : memref<64000xf32, #tpu.memory_space<vmem>>) dst(%dma_wait3A_184 : memref<64000xf32, #tpu.memory_space<hbm>>)
      %dma_wait3A_185 = tpu.memref_slice %arg4[%add3A_94] : memref<51200000xf32, #tpu.memory_space<hbm>> -> memref<64000xf32, #tpu.memory_space<hbm>>
      %dma_wait3A_186 = tpu.memref_slice %arg4[%add3A_94] : memref<51200000xf32, #tpu.memory_space<hbm>> -> memref<64000xf32, #tpu.memory_space<hbm>>
      tpu.wait_dma2 semaphore(%arg9 : memref<!tpu.dma_semaphore, #tpu.memory_space<semaphore_mem>>) src(%arg5 : memref<64000xf32, #tpu.memory_space<vmem>>) dst(%dma_wait3A_186 : memref<64000xf32, #tpu.memory_space<hbm>>)
      %dma_start3A_187 = arith.constant 0 : i32
      %dma_start3A_188 = tpu.memref_slice %arg7[%dma_start3A_187] : memref<1024xf32, #tpu.memory_space<vmem>> -> memref<128xf32, #tpu.memory_space<vmem>>
      %dma_start3A_189 = arith.constant 0 : i32
      %dma_start3A_190 = tpu.memref_slice %arg8[%dma_start3A_189] : memref<1024xi32, #tpu.memory_space<vmem>> -> memref<128xi32, #tpu.memory_space<vmem>>
      %dma_start3A_191 = arith.constant 0 : i32
      %dma_start3A_192 = tpu.memref_slice %arg4[%dma_start3A_191] : memref<51200000xf32, #tpu.memory_space<hbm>> -> memref<51200000xf32, #tpu.memory_space<hbm>>
      tpu.enqueue_indirect_dma source(%dma_start3A_188 : memref<128xf32, #tpu.memory_space<vmem>>) target(%dma_start3A_192 : memref<51200000xf32, #tpu.memory_space<hbm>>) offsets(%dma_start3A_190 : memref<128xi32, #tpu.memory_space<vmem>>) semaphore(%arg11 : memref<!tpu.dma_semaphore, #tpu.memory_space<semaphore_mem>>)
      %dma_start3A_193 = arith.constant 128 : i32
      %dma_start3A_194 = tpu.memref_slice %arg7[%dma_start3A_193] : memref<1024xf32, #tpu.memory_space<vmem>> -> memref<128xf32, #tpu.memory_space<vmem>>
      %dma_start3A_195 = arith.constant 128 : i32
      %dma_start3A_196 = tpu.memref_slice %arg8[%dma_start3A_195] : memref<1024xi32, #tpu.memory_space<vmem>> -> memref<128xi32, #tpu.memory_space<vmem>>
      %dma_start3A_197 = arith.constant 0 : i32
      %dma_start3A_198 = tpu.memref_slice %arg4[%dma_start3A_197] : memref<51200000xf32, #tpu.memory_space<hbm>> -> memref<51200000xf32, #tpu.memory_space<hbm>>
      tpu.enqueue_indirect_dma source(%dma_start3A_194 : memref<128xf32, #tpu.memory_space<vmem>>) target(%dma_start3A_198 : memref<51200000xf32, #tpu.memory_space<hbm>>) offsets(%dma_start3A_196 : memref<128xi32, #tpu.memory_space<vmem>>) semaphore(%arg11 : memref<!tpu.dma_semaphore, #tpu.memory_space<semaphore_mem>>)
      %dma_start3A_199 = arith.constant 256 : i32
      %dma_start3A_200 = tpu.memref_slice %arg7[%dma_start3A_199] : memref<1024xf32, #tpu.memory_space<vmem>> -> memref<128xf32, #tpu.memory_space<vmem>>
      %dma_start3A_201 = arith.constant 256 : i32
      %dma_start3A_202 = tpu.memref_slice %arg8[%dma_start3A_201] : memref<1024xi32, #tpu.memory_space<vmem>> -> memref<128xi32, #tpu.memory_space<vmem>>
      %dma_start3A_203 = arith.constant 0 : i32
      %dma_start3A_204 = tpu.memref_slice %arg4[%dma_start3A_203] : memref<51200000xf32, #tpu.memory_space<hbm>> -> memref<51200000xf32, #tpu.memory_space<hbm>>
      tpu.enqueue_indirect_dma source(%dma_start3A_200 : memref<128xf32, #tpu.memory_space<vmem>>) target(%dma_start3A_204 : memref<51200000xf32, #tpu.memory_space<hbm>>) offsets(%dma_start3A_202 : memref<128xi32, #tpu.memory_space<vmem>>) semaphore(%arg11 : memref<!tpu.dma_semaphore, #tpu.memory_space<semaphore_mem>>)
      %dma_start3A_205 = arith.constant 384 : i32
      %dma_start3A_206 = tpu.memref_slice %arg7[%dma_start3A_205] : memref<1024xf32, #tpu.memory_space<vmem>> -> memref<128xf32, #tpu.memory_space<vmem>>
      %dma_start3A_207 = arith.constant 384 : i32
      %dma_start3A_208 = tpu.memref_slice %arg8[%dma_start3A_207] : memref<1024xi32, #tpu.memory_space<vmem>> -> memref<128xi32, #tpu.memory_space<vmem>>
      %dma_start3A_209 = arith.constant 0 : i32
      %dma_start3A_210 = tpu.memref_slice %arg4[%dma_start3A_209] : memref<51200000xf32, #tpu.memory_space<hbm>> -> memref<51200000xf32, #tpu.memory_space<hbm>>
      tpu.enqueue_indirect_dma source(%dma_start3A_206 : memref<128xf32, #tpu.memory_space<vmem>>) target(%dma_start3A_210 : memref<51200000xf32, #tpu.memory_space<hbm>>) offsets(%dma_start3A_208 : memref<128xi32, #tpu.memory_space<vmem>>) semaphore(%arg11 : memref<!tpu.dma_semaphore, #tpu.memory_space<semaphore_mem>>)
      %dma_start3A_211 = arith.constant 512 : i32
      %dma_start3A_212 = tpu.memref_slice %arg7[%dma_start3A_211] : memref<1024xf32, #tpu.memory_space<vmem>> -> memref<128xf32, #tpu.memory_space<vmem>>
      %dma_start3A_213 = arith.constant 512 : i32
      %dma_start3A_214 = tpu.memref_slice %arg8[%dma_start3A_213] : memref<1024xi32, #tpu.memory_space<vmem>> -> memref<128xi32, #tpu.memory_space<vmem>>
      %dma_start3A_215 = arith.constant 0 : i32
      %dma_start3A_216 = tpu.memref_slice %arg4[%dma_start3A_215] : memref<51200000xf32, #tpu.memory_space<hbm>> -> memref<51200000xf32, #tpu.memory_space<hbm>>
      tpu.enqueue_indirect_dma source(%dma_start3A_212 : memref<128xf32, #tpu.memory_space<vmem>>) target(%dma_start3A_216 : memref<51200000xf32, #tpu.memory_space<hbm>>) offsets(%dma_start3A_214 : memref<128xi32, #tpu.memory_space<vmem>>) semaphore(%arg11 : memref<!tpu.dma_semaphore, #tpu.memory_space<semaphore_mem>>)
      %dma_start3A_217 = arith.constant 640 : i32
      %dma_start3A_218 = tpu.memref_slice %arg7[%dma_start3A_217] : memref<1024xf32, #tpu.memory_space<vmem>> -> memref<128xf32, #tpu.memory_space<vmem>>
      %dma_start3A_219 = arith.constant 640 : i32
      %dma_start3A_220 = tpu.memref_slice %arg8[%dma_start3A_219] : memref<1024xi32, #tpu.memory_space<vmem>> -> memref<128xi32, #tpu.memory_space<vmem>>
      %dma_start3A_221 = arith.constant 0 : i32
      %dma_start3A_222 = tpu.memref_slice %arg4[%dma_start3A_221] : memref<51200000xf32, #tpu.memory_space<hbm>> -> memref<51200000xf32, #tpu.memory_space<hbm>>
      tpu.enqueue_indirect_dma source(%dma_start3A_218 : memref<128xf32, #tpu.memory_space<vmem>>) target(%dma_start3A_222 : memref<51200000xf32, #tpu.memory_space<hbm>>) offsets(%dma_start3A_220 : memref<128xi32, #tpu.memory_space<vmem>>) semaphore(%arg11 : memref<!tpu.dma_semaphore, #tpu.memory_space<semaphore_mem>>)
      %dma_start3A_223 = arith.constant 768 : i32
      %dma_start3A_224 = tpu.memref_slice %arg7[%dma_start3A_223] : memref<1024xf32, #tpu.memory_space<vmem>> -> memref<128xf32, #tpu.memory_space<vmem>>
      %dma_start3A_225 = arith.constant 768 : i32
      %dma_start3A_226 = tpu.memref_slice %arg8[%dma_start3A_225] : memref<1024xi32, #tpu.memory_space<vmem>> -> memref<128xi32, #tpu.memory_space<vmem>>
      %dma_start3A_227 = arith.constant 0 : i32
      %dma_start3A_228 = tpu.memref_slice %arg4[%dma_start3A_227] : memref<51200000xf32, #tpu.memory_space<hbm>> -> memref<51200000xf32, #tpu.memory_space<hbm>>
      tpu.enqueue_indirect_dma source(%dma_start3A_224 : memref<128xf32, #tpu.memory_space<vmem>>) target(%dma_start3A_228 : memref<51200000xf32, #tpu.memory_space<hbm>>) offsets(%dma_start3A_226 : memref<128xi32, #tpu.memory_space<vmem>>) semaphore(%arg11 : memref<!tpu.dma_semaphore, #tpu.memory_space<semaphore_mem>>)
      %dma_start3A_229 = arith.constant 896 : i32
      %dma_start3A_230 = tpu.memref_slice %arg7[%dma_start3A_229] : memref<1024xf32, #tpu.memory_space<vmem>> -> memref<128xf32, #tpu.memory_space<vmem>>
      %dma_start3A_231 = arith.constant 896 : i32
      %dma_start3A_232 = tpu.memref_slice %arg8[%dma_start3A_231] : memref<1024xi32, #tpu.memory_space<vmem>> -> memref<128xi32, #tpu.memory_space<vmem>>
      %dma_start3A_233 = arith.constant 0 : i32
      %dma_start3A_234 = tpu.memref_slice %arg4[%dma_start3A_233] : memref<51200000xf32, #tpu.memory_space<hbm>> -> memref<51200000xf32, #tpu.memory_space<hbm>>
      tpu.enqueue_indirect_dma source(%dma_start3A_230 : memref<128xf32, #tpu.memory_space<vmem>>) target(%dma_start3A_234 : memref<51200000xf32, #tpu.memory_space<hbm>>) offsets(%dma_start3A_232 : memref<128xi32, #tpu.memory_space<vmem>>) semaphore(%arg11 : memref<!tpu.dma_semaphore, #tpu.memory_space<semaphore_mem>>)
      %dma_wait3A_235 = arith.constant 0 : i32
      %dma_wait3A_236 = tpu.memref_slice %arg7[%dma_wait3A_235] : memref<1024xf32, #tpu.memory_space<vmem>> -> memref<128xf32, #tpu.memory_space<vmem>>
      %dma_wait3A_237 = arith.constant 0 : i32
      %dma_wait3A_238 = tpu.memref_slice %arg8[%dma_wait3A_237] : memref<1024xi32, #tpu.memory_space<vmem>> -> memref<128xi32, #tpu.memory_space<vmem>>
      %dma_wait3A_239 = arith.constant 0 : i32
      %dma_wait3A_240 = tpu.memref_slice %arg4[%dma_wait3A_239] : memref<51200000xf32, #tpu.memory_space<hbm>> -> memref<51200000xf32, #tpu.memory_space<hbm>>
      tpu.wait_indirect_dma semaphore(%arg11 : memref<!tpu.dma_semaphore, #tpu.memory_space<semaphore_mem>>) src(%dma_wait3A_236 : memref<128xf32, #tpu.memory_space<vmem>>) dst(%dma_wait3A_240 : memref<51200000xf32, #tpu.memory_space<hbm>>)
      %dma_wait3A_241 = arith.constant 128 : i32
      %dma_wait3A_242 = tpu.memref_slice %arg7[%dma_wait3A_241] : memref<1024xf32, #tpu.memory_space<vmem>> -> memref<128xf32, #tpu.memory_space<vmem>>
      %dma_wait3A_243 = arith.constant 128 : i32
      %dma_wait3A_244 = tpu.memref_slice %arg8[%dma_wait3A_243] : memref<1024xi32, #tpu.memory_space<vmem>> -> memref<128xi32, #tpu.memory_space<vmem>>
      %dma_wait3A_245 = arith.constant 0 : i32
      %dma_wait3A_246 = tpu.memref_slice %arg4[%dma_wait3A_245] : memref<51200000xf32, #tpu.memory_space<hbm>> -> memref<51200000xf32, #tpu.memory_space<hbm>>
      tpu.wait_indirect_dma semaphore(%arg11 : memref<!tpu.dma_semaphore, #tpu.memory_space<semaphore_mem>>) src(%dma_wait3A_242 : memref<128xf32, #tpu.memory_space<vmem>>) dst(%dma_wait3A_246 : memref<51200000xf32, #tpu.memory_space<hbm>>)
      %dma_wait3A_247 = arith.constant 256 : i32
      %dma_wait3A_248 = tpu.memref_slice %arg7[%dma_wait3A_247] : memref<1024xf32, #tpu.memory_space<vmem>> -> memref<128xf32, #tpu.memory_space<vmem>>
      %dma_wait3A_249 = arith.constant 256 : i32
      %dma_wait3A_250 = tpu.memref_slice %arg8[%dma_wait3A_249] : memref<1024xi32, #tpu.memory_space<vmem>> -> memref<128xi32, #tpu.memory_space<vmem>>
      %dma_wait3A_251 = arith.constant 0 : i32
      %dma_wait3A_252 = tpu.memref_slice %arg4[%dma_wait3A_251] : memref<51200000xf32, #tpu.memory_space<hbm>> -> memref<51200000xf32, #tpu.memory_space<hbm>>
      tpu.wait_indirect_dma semaphore(%arg11 : memref<!tpu.dma_semaphore, #tpu.memory_space<semaphore_mem>>) src(%dma_wait3A_248 : memref<128xf32, #tpu.memory_space<vmem>>) dst(%dma_wait3A_252 : memref<51200000xf32, #tpu.memory_space<hbm>>)
      %dma_wait3A_253 = arith.constant 384 : i32
      %dma_wait3A_254 = tpu.memref_slice %arg7[%dma_wait3A_253] : memref<1024xf32, #tpu.memory_space<vmem>> -> memref<128xf32, #tpu.memory_space<vmem>>
      %dma_wait3A_255 = arith.constant 384 : i32
      %dma_wait3A_256 = tpu.memref_slice %arg8[%dma_wait3A_255] : memref<1024xi32, #tpu.memory_space<vmem>> -> memref<128xi32, #tpu.memory_space<vmem>>
      %dma_wait3A_257 = arith.constant 0 : i32
      %dma_wait3A_258 = tpu.memref_slice %arg4[%dma_wait3A_257] : memref<51200000xf32, #tpu.memory_space<hbm>> -> memref<51200000xf32, #tpu.memory_space<hbm>>
      tpu.wait_indirect_dma semaphore(%arg11 : memref<!tpu.dma_semaphore, #tpu.memory_space<semaphore_mem>>) src(%dma_wait3A_254 : memref<128xf32, #tpu.memory_space<vmem>>) dst(%dma_wait3A_258 : memref<51200000xf32, #tpu.memory_space<hbm>>)
      %dma_wait3A_259 = arith.constant 512 : i32
      %dma_wait3A_260 = tpu.memref_slice %arg7[%dma_wait3A_259] : memref<1024xf32, #tpu.memory_space<vmem>> -> memref<128xf32, #tpu.memory_space<vmem>>
      %dma_wait3A_261 = arith.constant 512 : i32
      %dma_wait3A_262 = tpu.memref_slice %arg8[%dma_wait3A_261] : memref<1024xi32, #tpu.memory_space<vmem>> -> memref<128xi32, #tpu.memory_space<vmem>>
      %dma_wait3A_263 = arith.constant 0 : i32
      %dma_wait3A_264 = tpu.memref_slice %arg4[%dma_wait3A_263] : memref<51200000xf32, #tpu.memory_space<hbm>> -> memref<51200000xf32, #tpu.memory_space<hbm>>
      tpu.wait_indirect_dma semaphore(%arg11 : memref<!tpu.dma_semaphore, #tpu.memory_space<semaphore_mem>>) src(%dma_wait3A_260 : memref<128xf32, #tpu.memory_space<vmem>>) dst(%dma_wait3A_264 : memref<51200000xf32, #tpu.memory_space<hbm>>)
      %dma_wait3A_265 = arith.constant 640 : i32
      %dma_wait3A_266 = tpu.memref_slice %arg7[%dma_wait3A_265] : memref<1024xf32, #tpu.memory_space<vmem>> -> memref<128xf32, #tpu.memory_space<vmem>>
      %dma_wait3A_267 = arith.constant 640 : i32
      %dma_wait3A_268 = tpu.memref_slice %arg8[%dma_wait3A_267] : memref<1024xi32, #tpu.memory_space<vmem>> -> memref<128xi32, #tpu.memory_space<vmem>>
      %dma_wait3A_269 = arith.constant 0 : i32
      %dma_wait3A_270 = tpu.memref_slice %arg4[%dma_wait3A_269] : memref<51200000xf32, #tpu.memory_space<hbm>> -> memref<51200000xf32, #tpu.memory_space<hbm>>
      tpu.wait_indirect_dma semaphore(%arg11 : memref<!tpu.dma_semaphore, #tpu.memory_space<semaphore_mem>>) src(%dma_wait3A_266 : memref<128xf32, #tpu.memory_space<vmem>>) dst(%dma_wait3A_270 : memref<51200000xf32, #tpu.memory_space<hbm>>)
      %dma_wait3A_271 = arith.constant 768 : i32
      %dma_wait3A_272 = tpu.memref_slice %arg7[%dma_wait3A_271] : memref<1024xf32, #tpu.memory_space<vmem>> -> memref<128xf32, #tpu.memory_space<vmem>>
      %dma_wait3A_273 = arith.constant 768 : i32
      %dma_wait3A_274 = tpu.memref_slice %arg8[%dma_wait3A_273] : memref<1024xi32, #tpu.memory_space<vmem>> -> memref<128xi32, #tpu.memory_space<vmem>>
      %dma_wait3A_275 = arith.constant 0 : i32
      %dma_wait3A_276 = tpu.memref_slice %arg4[%dma_wait3A_275] : memref<51200000xf32, #tpu.memory_space<hbm>> -> memref<51200000xf32, #tpu.memory_space<hbm>>
      tpu.wait_indirect_dma semaphore(%arg11 : memref<!tpu.dma_semaphore, #tpu.memory_space<semaphore_mem>>) src(%dma_wait3A_272 : memref<128xf32, #tpu.memory_space<vmem>>) dst(%dma_wait3A_276 : memref<51200000xf32, #tpu.memory_space<hbm>>)
      %dma_wait3A_277 = arith.constant 896 : i32
      %dma_wait3A_278 = tpu.memref_slice %arg7[%dma_wait3A_277] : memref<1024xf32, #tpu.memory_space<vmem>> -> memref<128xf32, #tpu.memory_space<vmem>>
      %dma_wait3A_279 = arith.constant 896 : i32
      %dma_wait3A_280 = tpu.memref_slice %arg8[%dma_wait3A_279] : memref<1024xi32, #tpu.memory_space<vmem>> -> memref<128xi32, #tpu.memory_space<vmem>>
      %dma_wait3A_281 = arith.constant 0 : i32
      %dma_wait3A_282 = tpu.memref_slice %arg4[%dma_wait3A_281] : memref<51200000xf32, #tpu.memory_space<hbm>> -> memref<51200000xf32, #tpu.memory_space<hbm>>
      tpu.wait_indirect_dma semaphore(%arg11 : memref<!tpu.dma_semaphore, #tpu.memory_space<semaphore_mem>>) src(%dma_wait3A_278 : memref<128xf32, #tpu.memory_space<vmem>>) dst(%dma_wait3A_282 : memref<51200000xf32, #tpu.memory_space<hbm>>)
    }
    %while3A_59 = arith.constant 1 : i32
    scf.for %while3A_60 = %while3A_57 to %while3A_53 step %while3A_59  : i32 {
      %mul3A_61 = arith.constant 1024000 : i32
      %mul3A_62 = arith.muli %while3A_60, %mul3A_61 : i32
      %add3A_63 = arith.constant 0 : i32
      %add3A_64 = arith.addi %mul3A_62, %add3A_63 : i32
      %add3A_65 = arith.constant 64000 : i32
      %add3A_66 = arith.addi %mul3A_62, %add3A_65 : i32
      %add3A_67 = arith.constant 128000 : i32
      %add3A_68 = arith.addi %mul3A_62, %add3A_67 : i32
      %add3A_69 = arith.constant 192000 : i32
      %add3A_70 = arith.addi %mul3A_62, %add3A_69 : i32
      %add3A_71 = arith.constant 256000 : i32
      %add3A_72 = arith.addi %mul3A_62, %add3A_71 : i32
      %add3A_73 = arith.constant 320000 : i32
      %add3A_74 = arith.addi %mul3A_62, %add3A_73 : i32
      %add3A_75 = arith.constant 384000 : i32
      %add3A_76 = arith.addi %mul3A_62, %add3A_75 : i32
      %add3A_77 = arith.constant 448000 : i32
      %add3A_78 = arith.addi %mul3A_62, %add3A_77 : i32
      %add3A_79 = arith.constant 512000 : i32
      %add3A_80 = arith.addi %mul3A_62, %add3A_79 : i32
      %add3A_81 = arith.constant 576000 : i32
      %add3A_82 = arith.addi %mul3A_62, %add3A_81 : i32
      %add3A_83 = arith.constant 640000 : i32
      %add3A_84 = arith.addi %mul3A_62, %add3A_83 : i32
      %add3A_85 = arith.constant 704000 : i32
      %add3A_86 = arith.addi %mul3A_62, %add3A_85 : i32
      %add3A_87 = arith.constant 768000 : i32
      %add3A_88 = arith.addi %mul3A_62, %add3A_87 : i32
      %add3A_89 = arith.constant 832000 : i32
      %add3A_90 = arith.addi %mul3A_62, %add3A_89 : i32
      %add3A_91 = arith.constant 896000 : i32
      %add3A_92 = arith.addi %mul3A_62, %add3A_91 : i32
      %add3A_93 = arith.constant 960000 : i32
      %add3A_94 = arith.addi %mul3A_62, %add3A_93 : i32
      %dma_start3A = tpu.memref_slice %arg4[%add3A_64] : memref<51200000xf32, #tpu.memory_space<hbm>> -> memref<64000xf32, #tpu.memory_space<hbm>>
      %dma_start3A_95 = tpu.memref_slice %arg4[%add3A_64] : memref<51200000xf32, #tpu.memory_space<hbm>> -> memref<64000xf32, #tpu.memory_space<hbm>>
      tpu.enqueue_dma source(%arg5 : memref<64000xf32, #tpu.memory_space<vmem>>) target(%dma_start3A_95 : memref<64000xf32, #tpu.memory_space<hbm>>) target_semaphore(%arg9 : memref<!tpu.dma_semaphore, #tpu.memory_space<semaphore_mem>>)
      %dma_start3A_96 = tpu.memref_slice %arg4[%add3A_66] : memref<51200000xf32, #tpu.memory_space<hbm>> -> memref<64000xf32, #tpu.memory_space<hbm>>
      %dma_start3A_97 = tpu.memref_slice %arg4[%add3A_66] : memref<51200000xf32, #tpu.memory_space<hbm>> -> memref<64000xf32, #tpu.memory_space<hbm>>
      tpu.enqueue_dma source(%arg5 : memref<64000xf32, #tpu.memory_space<vmem>>) target(%dma_start3A_97 : memref<64000xf32, #tpu.memory_space<hbm>>) target_semaphore(%arg9 : memref<!tpu.dma_semaphore, #tpu.memory_space<semaphore_mem>>)
      %dma_start3A_98 = tpu.memref_slice %arg4[%add3A_68] : memref<51200000xf32, #tpu.memory_space<hbm>> -> memref<64000xf32, #tpu.memory_space<hbm>>
      %dma_start3A_99 = tpu.memref_slice %arg4[%add3A_68] : memref<51200000xf32, #tpu.memory_space<hbm>> -> memref<64000xf32, #tpu.memory_space<hbm>>
      tpu.enqueue_dma source(%arg5 : memref<64000xf32, #tpu.memory_space<vmem>>) target(%dma_start3A_99 : memref<64000xf32, #tpu.memory_space<hbm>>) target_semaphore(%arg9 : memref<!tpu.dma_semaphore, #tpu.memory_space<semaphore_mem>>)
      %dma_start3A_100 = tpu.memref_slice %arg4[%add3A_70] : memref<51200000xf32, #tpu.memory_space<hbm>> -> memref<64000xf32, #tpu.memory_space<hbm>>
      %dma_start3A_101 = tpu.memref_slice %arg4[%add3A_70] : memref<51200000xf32, #tpu.memory_space<hbm>> -> memref<64000xf32, #tpu.memory_space<hbm>>
      tpu.enqueue_dma source(%arg5 : memref<64000xf32, #tpu.memory_space<vmem>>) target(%dma_start3A_101 : memref<64000xf32, #tpu.memory_space<hbm>>) target_semaphore(%arg9 : memref<!tpu.dma_semaphore, #tpu.memory_space<semaphore_mem>>)
      %dma_start3A_102 = tpu.memref_slice %arg4[%add3A_72] : memref<51200000xf32, #tpu.memory_space<hbm>> -> memref<64000xf32, #tpu.memory_space<hbm>>
      %dma_start3A_103 = tpu.memref_slice %arg4[%add3A_72] : memref<51200000xf32, #tpu.memory_space<hbm>> -> memref<64000xf32, #tpu.memory_space<hbm>>
      tpu.enqueue_dma source(%arg5 : memref<64000xf32, #tpu.memory_space<vmem>>) target(%dma_start3A_103 : memref<64000xf32, #tpu.memory_space<hbm>>) target_semaphore(%arg9 : memref<!tpu.dma_semaphore, #tpu.memory_space<semaphore_mem>>)
      %dma_start3A_104 = tpu.memref_slice %arg4[%add3A_74] : memref<51200000xf32, #tpu.memory_space<hbm>> -> memref<64000xf32, #tpu.memory_space<hbm>>
      %dma_start3A_105 = tpu.memref_slice %arg4[%add3A_74] : memref<51200000xf32, #tpu.memory_space<hbm>> -> memref<64000xf32, #tpu.memory_space<hbm>>
      tpu.enqueue_dma source(%arg5 : memref<64000xf32, #tpu.memory_space<vmem>>) target(%dma_start3A_105 : memref<64000xf32, #tpu.memory_space<hbm>>) target_semaphore(%arg9 : memref<!tpu.dma_semaphore, #tpu.memory_space<semaphore_mem>>)
      %dma_start3A_106 = tpu.memref_slice %arg4[%add3A_76] : memref<51200000xf32, #tpu.memory_space<hbm>> -> memref<64000xf32, #tpu.memory_space<hbm>>
      %dma_start3A_107 = tpu.memref_slice %arg4[%add3A_76] : memref<51200000xf32, #tpu.memory_space<hbm>> -> memref<64000xf32, #tpu.memory_space<hbm>>
      tpu.enqueue_dma source(%arg5 : memref<64000xf32, #tpu.memory_space<vmem>>) target(%dma_start3A_107 : memref<64000xf32, #tpu.memory_space<hbm>>) target_semaphore(%arg9 : memref<!tpu.dma_semaphore, #tpu.memory_space<semaphore_mem>>)
      %dma_start3A_108 = tpu.memref_slice %arg4[%add3A_78] : memref<51200000xf32, #tpu.memory_space<hbm>> -> memref<64000xf32, #tpu.memory_space<hbm>>
      %dma_start3A_109 = tpu.memref_slice %arg4[%add3A_78] : memref<51200000xf32, #tpu.memory_space<hbm>> -> memref<64000xf32, #tpu.memory_space<hbm>>
      tpu.enqueue_dma source(%arg5 : memref<64000xf32, #tpu.memory_space<vmem>>) target(%dma_start3A_109 : memref<64000xf32, #tpu.memory_space<hbm>>) target_semaphore(%arg9 : memref<!tpu.dma_semaphore, #tpu.memory_space<semaphore_mem>>)
      %dma_start3A_110 = tpu.memref_slice %arg4[%add3A_80] : memref<51200000xf32, #tpu.memory_space<hbm>> -> memref<64000xf32, #tpu.memory_space<hbm>>
      %dma_start3A_111 = tpu.memref_slice %arg4[%add3A_80] : memref<51200000xf32, #tpu.memory_space<hbm>> -> memref<64000xf32, #tpu.memory_space<hbm>>
      tpu.enqueue_dma source(%arg5 : memref<64000xf32, #tpu.memory_space<vmem>>) target(%dma_start3A_111 : memref<64000xf32, #tpu.memory_space<hbm>>) target_semaphore(%arg9 : memref<!tpu.dma_semaphore, #tpu.memory_space<semaphore_mem>>)
      %dma_start3A_112 = tpu.memref_slice %arg4[%add3A_82] : memref<51200000xf32, #tpu.memory_space<hbm>> -> memref<64000xf32, #tpu.memory_space<hbm>>
      %dma_start3A_113 = tpu.memref_slice %arg4[%add3A_82] : memref<51200000xf32, #tpu.memory_space<hbm>> -> memref<64000xf32, #tpu.memory_space<hbm>>
      tpu.enqueue_dma source(%arg5 : memref<64000xf32, #tpu.memory_space<vmem>>) target(%dma_start3A_113 : memref<64000xf32, #tpu.memory_space<hbm>>) target_semaphore(%arg9 : memref<!tpu.dma_semaphore, #tpu.memory_space<semaphore_mem>>)
      %dma_start3A_114 = tpu.memref_slice %arg4[%add3A_84] : memref<51200000xf32, #tpu.memory_space<hbm>> -> memref<64000xf32, #tpu.memory_space<hbm>>
      %dma_start3A_115 = tpu.memref_slice %arg4[%add3A_84] : memref<51200000xf32, #tpu.memory_space<hbm>> -> memref<64000xf32, #tpu.memory_space<hbm>>
      tpu.enqueue_dma source(%arg5 : memref<64000xf32, #tpu.memory_space<vmem>>) target(%dma_start3A_115 : memref<64000xf32, #tpu.memory_space<hbm>>) target_semaphore(%arg9 : memref<!tpu.dma_semaphore, #tpu.memory_space<semaphore_mem>>)
      %dma_start3A_116 = tpu.memref_slice %arg4[%add3A_86] : memref<51200000xf32, #tpu.memory_space<hbm>> -> memref<64000xf32, #tpu.memory_space<hbm>>
      %dma_start3A_117 = tpu.memref_slice %arg4[%add3A_86] : memref<51200000xf32, #tpu.memory_space<hbm>> -> memref<64000xf32, #tpu.memory_space<hbm>>
      tpu.enqueue_dma source(%arg5 : memref<64000xf32, #tpu.memory_space<vmem>>) target(%dma_start3A_117 : memref<64000xf32, #tpu.memory_space<hbm>>) target_semaphore(%arg9 : memref<!tpu.dma_semaphore, #tpu.memory_space<semaphore_mem>>)
      %dma_start3A_118 = tpu.memref_slice %arg4[%add3A_88] : memref<51200000xf32, #tpu.memory_space<hbm>> -> memref<64000xf32, #tpu.memory_space<hbm>>
      %dma_start3A_119 = tpu.memref_slice %arg4[%add3A_88] : memref<51200000xf32, #tpu.memory_space<hbm>> -> memref<64000xf32, #tpu.memory_space<hbm>>
      tpu.enqueue_dma source(%arg5 : memref<64000xf32, #tpu.memory_space<vmem>>) target(%dma_start3A_119 : memref<64000xf32, #tpu.memory_space<hbm>>) target_semaphore(%arg9 : memref<!tpu.dma_semaphore, #tpu.memory_space<semaphore_mem>>)
      %dma_start3A_120 = tpu.memref_slice %arg4[%add3A_90] : memref<51200000xf32, #tpu.memory_space<hbm>> -> memref<64000xf32, #tpu.memory_space<hbm>>
      %dma_start3A_121 = tpu.memref_slice %arg4[%add3A_90] : memref<51200000xf32, #tpu.memory_space<hbm>> -> memref<64000xf32, #tpu.memory_space<hbm>>
      tpu.enqueue_dma source(%arg5 : memref<64000xf32, #tpu.memory_space<vmem>>) target(%dma_start3A_121 : memref<64000xf32, #tpu.memory_space<hbm>>) target_semaphore(%arg9 : memref<!tpu.dma_semaphore, #tpu.memory_space<semaphore_mem>>)
      %dma_start3A_122 = tpu.memref_slice %arg4[%add3A_92] : memref<51200000xf32, #tpu.memory_space<hbm>> -> memref<64000xf32, #tpu.memory_space<hbm>>
      %dma_start3A_123 = tpu.memref_slice %arg4[%add3A_92] : memref<51200000xf32, #tpu.memory_space<hbm>> -> memref<64000xf32, #tpu.memory_space<hbm>>
      tpu.enqueue_dma source(%arg5 : memref<64000xf32, #tpu.memory_space<vmem>>) target(%dma_start3A_123 : memref<64000xf32, #tpu.memory_space<hbm>>) target_semaphore(%arg9 : memref<!tpu.dma_semaphore, #tpu.memory_space<semaphore_mem>>)
      %dma_start3A_124 = tpu.memref_slice %arg4[%add3A_94] : memref<51200000xf32, #tpu.memory_space<hbm>> -> memref<64000xf32, #tpu.memory_space<hbm>>
      %dma_start3A_125 = tpu.memref_slice %arg4[%add3A_94] : memref<51200000xf32, #tpu.memory_space<hbm>> -> memref<64000xf32, #tpu.memory_space<hbm>>
      tpu.enqueue_dma source(%arg5 : memref<64000xf32, #tpu.memory_space<vmem>>) target(%dma_start3A_125 : memref<64000xf32, #tpu.memory_space<hbm>>) target_semaphore(%arg9 : memref<!tpu.dma_semaphore, #tpu.memory_space<semaphore_mem>>)
      %dma_start3A_126 = arith.constant 0 : i32
      %dma_start3A_127 = tpu.memref_slice %arg2[%while3A_60, %dma_start3A_126] : memref<50x1024xi32, #tpu.memory_space<hbm>> -> memref<1x1024xi32, #tpu.memory_space<hbm>>
      %dma_start3A_128 = tpu.memref_squeeze %dma_start3A_127 : memref<1x1024xi32, #tpu.memory_space<hbm>> -> memref<1024xi32, #tpu.memory_space<hbm>>
      %dma_start3A_129 = arith.constant 0 : i32
      %dma_start3A_130 = tpu.memref_slice %arg2[%while3A_60, %dma_start3A_129] : memref<50x1024xi32, #tpu.memory_space<hbm>> -> memref<1x1024xi32, #tpu.memory_space<hbm>>
      %dma_start3A_131 = tpu.memref_squeeze %dma_start3A_130 : memref<1x1024xi32, #tpu.memory_space<hbm>> -> memref<1024xi32, #tpu.memory_space<hbm>>
      tpu.enqueue_dma source(%dma_start3A_131 : memref<1024xi32, #tpu.memory_space<hbm>>) target(%arg6 : memref<1024xi32, #tpu.memory_space<vmem>>) target_semaphore(%arg10 : memref<!tpu.dma_semaphore, #tpu.memory_space<semaphore_mem>>)
      %dma_start3A_132 = arith.constant 0 : i32
      %dma_start3A_133 = tpu.memref_slice %arg3[%while3A_60, %dma_start3A_132] : memref<50x1024xf32, #tpu.memory_space<hbm>> -> memref<1x1024xf32, #tpu.memory_space<hbm>>
      %dma_start3A_134 = tpu.memref_squeeze %dma_start3A_133 : memref<1x1024xf32, #tpu.memory_space<hbm>> -> memref<1024xf32, #tpu.memory_space<hbm>>
      %dma_start3A_135 = arith.constant 0 : i32
      %dma_start3A_136 = tpu.memref_slice %arg3[%while3A_60, %dma_start3A_135] : memref<50x1024xf32, #tpu.memory_space<hbm>> -> memref<1x1024xf32, #tpu.memory_space<hbm>>
      %dma_start3A_137 = tpu.memref_squeeze %dma_start3A_136 : memref<1x1024xf32, #tpu.memory_space<hbm>> -> memref<1024xf32, #tpu.memory_space<hbm>>
      tpu.enqueue_dma source(%dma_start3A_137 : memref<1024xf32, #tpu.memory_space<hbm>>) target(%arg7 : memref<1024xf32, #tpu.memory_space<vmem>>) target_semaphore(%arg10 : memref<!tpu.dma_semaphore, #tpu.memory_space<semaphore_mem>>)
      %dma_wait3A = arith.constant 0 : i32
      %dma_wait3A_138 = tpu.memref_slice %arg2[%while3A_60, %dma_wait3A] : memref<50x1024xi32, #tpu.memory_space<hbm>> -> memref<1x1024xi32, #tpu.memory_space<hbm>>
      %dma_wait3A_139 = tpu.memref_squeeze %dma_wait3A_138 : memref<1x1024xi32, #tpu.memory_space<hbm>> -> memref<1024xi32, #tpu.memory_space<hbm>>
      %dma_wait3A_140 = arith.constant 0 : i32
      %dma_wait3A_141 = tpu.memref_slice %arg2[%while3A_60, %dma_wait3A_140] : memref<50x1024xi32, #tpu.memory_space<hbm>> -> memref<1x1024xi32, #tpu.memory_space<hbm>>
      %dma_wait3A_142 = tpu.memref_squeeze %dma_wait3A_141 : memref<1x1024xi32, #tpu.memory_space<hbm>> -> memref<1024xi32, #tpu.memory_space<hbm>>
      tpu.wait_dma2 semaphore(%arg10 : memref<!tpu.dma_semaphore, #tpu.memory_space<semaphore_mem>>) src(%dma_wait3A_142 : memref<1024xi32, #tpu.memory_space<hbm>>) dst(%arg6 : memref<1024xi32, #tpu.memory_space<vmem>>)
      %dma_wait3A_143 = arith.constant 0 : i32
      %dma_wait3A_144 = tpu.memref_slice %arg3[%while3A_60, %dma_wait3A_143] : memref<50x1024xf32, #tpu.memory_space<hbm>> -> memref<1x1024xf32, #tpu.memory_space<hbm>>
      %dma_wait3A_145 = tpu.memref_squeeze %dma_wait3A_144 : memref<1x1024xf32, #tpu.memory_space<hbm>> -> memref<1024xf32, #tpu.memory_space<hbm>>
      %dma_wait3A_146 = arith.constant 0 : i32
      %dma_wait3A_147 = tpu.memref_slice %arg3[%while3A_60, %dma_wait3A_146] : memref<50x1024xf32, #tpu.memory_space<hbm>> -> memref<1x1024xf32, #tpu.memory_space<hbm>>
      %dma_wait3A_148 = tpu.memref_squeeze %dma_wait3A_147 : memref<1x1024xf32, #tpu.memory_space<hbm>> -> memref<1024xf32, #tpu.memory_space<hbm>>
      tpu.wait_dma2 semaphore(%arg10 : memref<!tpu.dma_semaphore, #tpu.memory_space<semaphore_mem>>) src(%dma_wait3A_148 : memref<1024xf32, #tpu.memory_space<hbm>>) dst(%arg7 : memref<1024xf32, #tpu.memory_space<vmem>>)
      %scan3A_149 = arith.constant 0 : i32
      %scan3A_150 = arith.constant 0 : i32
      %scan3A_151 = arith.constant 64 : i32
      %scan3A_152 = arith.addi %scan3A_150, %scan3A_151 : i32
      %scan3A_153 = arith.constant 1 : i32
      scf.for %scan3A_283 = %scan3A_150 to %scan3A_152 step %scan3A_153  : i32 {
        %mul3A_284 = arith.constant 16 : i32
        %mul3A_285 = arith.muli %scan3A_283, %mul3A_284 : i32
        %get3A = arith.index_cast %mul3A_285 : i32 to index
        %get3A_286 = tpu.vector_load %arg6[%get3A] {strides = array<i32>} : memref<1024xi32, #tpu.memory_space<vmem>>, vector<16xi32>,
        %get3A_287 = vector.shape_cast %get3A_286 : vector<16xi32> to vector<16xi32>
        %mul3A_288 = arith.constant 16 : i32
        %mul3A_289 = arith.muli %scan3A_283, %mul3A_288 : i32
        %iota3A = tpu.iota {dimensions = array<i32: 0>} : vector<16xi32>
        %add3A_290 = vector.broadcast %mul3A_289 : i32 to vector<16xi32>
        %add3A_291 = arith.addi %add3A_290, %iota3A : vector<16xi32>
        %mul3A_292 = arith.constant 1000 : i32
        %mul3A_293 = arith.muli %while3A_60, %mul3A_292 : i32
        %add3A_294 = vector.broadcast %mul3A_293 : i32 to vector<16xi32>
        %add3A_295 = arith.addi %add3A_294, %get3A_287 : vector<16xi32>
        %mul3A_296 = arith.constant 1024 : i32
        %mul3A_297 = vector.broadcast %mul3A_296 : i32 to vector<16xi32>
        %mul3A_298 = arith.muli %add3A_295, %mul3A_297 : vector<16xi32>
        %add3A_299 = arith.addi %mul3A_298, %add3A_291 : vector<16xi32>
        %mul3A_300 = arith.constant 16 : i32
        %mul3A_301 = arith.muli %scan3A_283, %mul3A_300 : i32
        %swap3A = arith.index_cast %mul3A_301 : i32 to index
        %swap3A_302 = tpu.vector_load %arg8[%swap3A] {strides = array<i32>} : memref<1024xi32, #tpu.memory_space<vmem>>, vector<16xi32>,
        %swap3A_303 = vector.shape_cast %swap3A_302 : vector<16xi32> to vector<16xi32>
        %swap3A_304 = vector.shape_cast %add3A_299 : vector<16xi32> to vector<16xi32>
        tpu.vector_store %arg8[%swap3A], %swap3A_304 {strides = array<i32>} : memref<1024xi32, #tpu.memory_space<vmem>>, vector<16xi32>,
      }
      %scan3A_154 = arith.constant 64 : i32
      %dma_wait3A_155 = tpu.memref_slice %arg4[%add3A_64] : memref<51200000xf32, #tpu.memory_space<hbm>> -> memref<64000xf32, #tpu.memory_space<hbm>>
      %dma_wait3A_156 = tpu.memref_slice %arg4[%add3A_64] : memref<51200000xf32, #tpu.memory_space<hbm>> -> memref<64000xf32, #tpu.memory_space<hbm>>
      tpu.wait_dma2 semaphore(%arg9 : memref<!tpu.dma_semaphore, #tpu.memory_space<semaphore_mem>>) src(%arg5 : memref<64000xf32, #tpu.memory_space<vmem>>) dst(%dma_wait3A_156 : memref<64000xf32, #tpu.memory_space<hbm>>)
      %dma_wait3A_157 = tpu.memref_slice %arg4[%add3A_66] : memref<51200000xf32, #tpu.memory_space<hbm>> -> memref<64000xf32, #tpu.memory_space<hbm>>
      %dma_wait3A_158 = tpu.memref_slice %arg4[%add3A_66] : memref<51200000xf32, #tpu.memory_space<hbm>> -> memref<64000xf32, #tpu.memory_space<hbm>>
      tpu.wait_dma2 semaphore(%arg9 : memref<!tpu.dma_semaphore, #tpu.memory_space<semaphore_mem>>) src(%arg5 : memref<64000xf32, #tpu.memory_space<vmem>>) dst(%dma_wait3A_158 : memref<64000xf32, #tpu.memory_space<hbm>>)
      %dma_wait3A_159 = tpu.memref_slice %arg4[%add3A_68] : memref<51200000xf32, #tpu.memory_space<hbm>> -> memref<64000xf32, #tpu.memory_space<hbm>>
      %dma_wait3A_160 = tpu.memref_slice %arg4[%add3A_68] : memref<51200000xf32, #tpu.memory_space<hbm>> -> memref<64000xf32, #tpu.memory_space<hbm>>
      tpu.wait_dma2 semaphore(%arg9 : memref<!tpu.dma_semaphore, #tpu.memory_space<semaphore_mem>>) src(%arg5 : memref<64000xf32, #tpu.memory_space<vmem>>) dst(%dma_wait3A_160 : memref<64000xf32, #tpu.memory_space<hbm>>)
      %dma_wait3A_161 = tpu.memref_slice %arg4[%add3A_70] : memref<51200000xf32, #tpu.memory_space<hbm>> -> memref<64000xf32, #tpu.memory_space<hbm>>
      %dma_wait3A_162 = tpu.memref_slice %arg4[%add3A_70] : memref<51200000xf32, #tpu.memory_space<hbm>> -> memref<64000xf32, #tpu.memory_space<hbm>>
      tpu.wait_dma2 semaphore(%arg9 : memref<!tpu.dma_semaphore, #tpu.memory_space<semaphore_mem>>) src(%arg5 : memref<64000xf32, #tpu.memory_space<vmem>>) dst(%dma_wait3A_162 : memref<64000xf32, #tpu.memory_space<hbm>>)
      %dma_wait3A_163 = tpu.memref_slice %arg4[%add3A_72] : memref<51200000xf32, #tpu.memory_space<hbm>> -> memref<64000xf32, #tpu.memory_space<hbm>>
      %dma_wait3A_164 = tpu.memref_slice %arg4[%add3A_72] : memref<51200000xf32, #tpu.memory_space<hbm>> -> memref<64000xf32, #tpu.memory_space<hbm>>
      tpu.wait_dma2 semaphore(%arg9 : memref<!tpu.dma_semaphore, #tpu.memory_space<semaphore_mem>>) src(%arg5 : memref<64000xf32, #tpu.memory_space<vmem>>) dst(%dma_wait3A_164 : memref<64000xf32, #tpu.memory_space<hbm>>)
      %dma_wait3A_165 = tpu.memref_slice %arg4[%add3A_74] : memref<51200000xf32, #tpu.memory_space<hbm>> -> memref<64000xf32, #tpu.memory_space<hbm>>
      %dma_wait3A_166 = tpu.memref_slice %arg4[%add3A_74] : memref<51200000xf32, #tpu.memory_space<hbm>> -> memref<64000xf32, #tpu.memory_space<hbm>>
      tpu.wait_dma2 semaphore(%arg9 : memref<!tpu.dma_semaphore, #tpu.memory_space<semaphore_mem>>) src(%arg5 : memref<64000xf32, #tpu.memory_space<vmem>>) dst(%dma_wait3A_166 : memref<64000xf32, #tpu.memory_space<hbm>>)
      %dma_wait3A_167 = tpu.memref_slice %arg4[%add3A_76] : memref<51200000xf32, #tpu.memory_space<hbm>> -> memref<64000xf32, #tpu.memory_space<hbm>>
      %dma_wait3A_168 = tpu.memref_slice %arg4[%add3A_76] : memref<51200000xf32, #tpu.memory_space<hbm>> -> memref<64000xf32, #tpu.memory_space<hbm>>
      tpu.wait_dma2 semaphore(%arg9 : memref<!tpu.dma_semaphore, #tpu.memory_space<semaphore_mem>>) src(%arg5 : memref<64000xf32, #tpu.memory_space<vmem>>) dst(%dma_wait3A_168 : memref<64000xf32, #tpu.memory_space<hbm>>)
      %dma_wait3A_169 = tpu.memref_slice %arg4[%add3A_78] : memref<51200000xf32, #tpu.memory_space<hbm>> -> memref<64000xf32, #tpu.memory_space<hbm>>
      %dma_wait3A_170 = tpu.memref_slice %arg4[%add3A_78] : memref<51200000xf32, #tpu.memory_space<hbm>> -> memref<64000xf32, #tpu.memory_space<hbm>>
      tpu.wait_dma2 semaphore(%arg9 : memref<!tpu.dma_semaphore, #tpu.memory_space<semaphore_mem>>) src(%arg5 : memref<64000xf32, #tpu.memory_space<vmem>>) dst(%dma_wait3A_170 : memref<64000xf32, #tpu.memory_space<hbm>>)
      %dma_wait3A_171 = tpu.memref_slice %arg4[%add3A_80] : memref<51200000xf32, #tpu.memory_space<hbm>> -> memref<64000xf32, #tpu.memory_space<hbm>>
      %dma_wait3A_172 = tpu.memref_slice %arg4[%add3A_80] : memref<51200000xf32, #tpu.memory_space<hbm>> -> memref<64000xf32, #tpu.memory_space<hbm>>
      tpu.wait_dma2 semaphore(%arg9 : memref<!tpu.dma_semaphore, #tpu.memory_space<semaphore_mem>>) src(%arg5 : memref<64000xf32, #tpu.memory_space<vmem>>) dst(%dma_wait3A_172 : memref<64000xf32, #tpu.memory_space<hbm>>)
      %dma_wait3A_173 = tpu.memref_slice %arg4[%add3A_82] : memref<51200000xf32, #tpu.memory_space<hbm>> -> memref<64000xf32, #tpu.memory_space<hbm>>
      %dma_wait3A_174 = tpu.memref_slice %arg4[%add3A_82] : memref<51200000xf32, #tpu.memory_space<hbm>> -> memref<64000xf32, #tpu.memory_space<hbm>>
      tpu.wait_dma2 semaphore(%arg9 : memref<!tpu.dma_semaphore, #tpu.memory_space<semaphore_mem>>) src(%arg5 : memref<64000xf32, #tpu.memory_space<vmem>>) dst(%dma_wait3A_174 : memref<64000xf32, #tpu.memory_space<hbm>>)
      %dma_wait3A_175 = tpu.memref_slice %arg4[%add3A_84] : memref<51200000xf32, #tpu.memory_space<hbm>> -> memref<64000xf32, #tpu.memory_space<hbm>>
      %dma_wait3A_176 = tpu.memref_slice %arg4[%add3A_84] : memref<51200000xf32, #tpu.memory_space<hbm>> -> memref<64000xf32, #tpu.memory_space<hbm>>
      tpu.wait_dma2 semaphore(%arg9 : memref<!tpu.dma_semaphore, #tpu.memory_space<semaphore_mem>>) src(%arg5 : memref<64000xf32, #tpu.memory_space<vmem>>) dst(%dma_wait3A_176 : memref<64000xf32, #tpu.memory_space<hbm>>)
      %dma_wait3A_177 = tpu.memref_slice %arg4[%add3A_86] : memref<51200000xf32, #tpu.memory_space<hbm>> -> memref<64000xf32, #tpu.memory_space<hbm>>
      %dma_wait3A_178 = tpu.memref_slice %arg4[%add3A_86] : memref<51200000xf32, #tpu.memory_space<hbm>> -> memref<64000xf32, #tpu.memory_space<hbm>>
      tpu.wait_dma2 semaphore(%arg9 : memref<!tpu.dma_semaphore, #tpu.memory_space<semaphore_mem>>) src(%arg5 : memref<64000xf32, #tpu.memory_space<vmem>>) dst(%dma_wait3A_178 : memref<64000xf32, #tpu.memory_space<hbm>>)
      %dma_wait3A_179 = tpu.memref_slice %arg4[%add3A_88] : memref<51200000xf32, #tpu.memory_space<hbm>> -> memref<64000xf32, #tpu.memory_space<hbm>>
      %dma_wait3A_180 = tpu.memref_slice %arg4[%add3A_88] : memref<51200000xf32, #tpu.memory_space<hbm>> -> memref<64000xf32, #tpu.memory_space<hbm>>
      tpu.wait_dma2 semaphore(%arg9 : memref<!tpu.dma_semaphore, #tpu.memory_space<semaphore_mem>>) src(%arg5 : memref<64000xf32, #tpu.memory_space<vmem>>) dst(%dma_wait3A_180 : memref<64000xf32, #tpu.memory_space<hbm>>)
      %dma_wait3A_181 = tpu.memref_slice %arg4[%add3A_90] : memref<51200000xf32, #tpu.memory_space<hbm>> -> memref<64000xf32, #tpu.memory_space<hbm>>
      %dma_wait3A_182 = tpu.memref_slice %arg4[%add3A_90] : memref<51200000xf32, #tpu.memory_space<hbm>> -> memref<64000xf32, #tpu.memory_space<hbm>>
      tpu.wait_dma2 semaphore(%arg9 : memref<!tpu.dma_semaphore, #tpu.memory_space<semaphore_mem>>) src(%arg5 : memref<64000xf32, #tpu.memory_space<vmem>>) dst(%dma_wait3A_182 : memref<64000xf32, #tpu.memory_space<hbm>>)
      %dma_wait3A_183 = tpu.memref_slice %arg4[%add3A_92] : memref<51200000xf32, #tpu.memory_space<hbm>> -> memref<64000xf32, #tpu.memory_space<hbm>>
      %dma_wait3A_184 = tpu.memref_slice %arg4[%add3A_92] : memref<51200000xf32, #tpu.memory_space<hbm>> -> memref<64000xf32, #tpu.memory_space<hbm>>
      tpu.wait_dma2 semaphore(%arg9 : memref<!tpu.dma_semaphore, #tpu.memory_space<semaphore_mem>>) src(%arg5 : memref<64000xf32, #tpu.memory_space<vmem>>) dst(%dma_wait3A_184 : memref<64000xf32, #tpu.memory_space<hbm>>)
      %dma_wait3A_185 = tpu.memref_slice %arg4[%add3A_94] : memref<51200000xf32, #tpu.memory_space<hbm>> -> memref<64000xf32, #tpu.memory_space<hbm>>
      %dma_wait3A_186 = tpu.memref_slice %arg4[%add3A_94] : memref<51200000xf32, #tpu.memory_space<hbm>> -> memref<64000xf32, #tpu.memory_space<hbm>>
      tpu.wait_dma2 semaphore(%arg9 : memref<!tpu.dma_semaphore, #tpu.memory_space<semaphore_mem>>) src(%arg5 : memref<64000xf32, #tpu.memory_space<vmem>>) dst(%dma_wait3A_186 : memref<64000xf32, #tpu.memory_space<hbm>>)
      %dma_start3A_187 = arith.constant 0 : i32
      %dma_start3A_188 = tpu.memref_slice %arg7[%dma_start3A_187] : memref<1024xf32, #tpu.memory_space<vmem>> -> memref<128xf32, #tpu.memory_space<vmem>>
      %dma_start3A_189 = arith.constant 0 : i32
      %dma_start3A_190 = tpu.memref_slice %arg8[%dma_start3A_189] : memref<1024xi32, #tpu.memory_space<vmem>> -> memref<128xi32, #tpu.memory_space<vmem>>
      %dma_start3A_191 = arith.constant 0 : i32
      %dma_start3A_192 = tpu.memref_slice %arg4[%dma_start3A_191] : memref<51200000xf32, #tpu.memory_space<hbm>> -> memref<51200000xf32, #tpu.memory_space<hbm>>
      tpu.enqueue_indirect_dma source(%dma_start3A_188 : memref<128xf32, #tpu.memory_space<vmem>>) target(%dma_start3A_192 : memref<51200000xf32, #tpu.memory_space<hbm>>) offsets(%dma_start3A_190 : memref<128xi32, #tpu.memory_space<vmem>>) semaphore(%arg11 : memref<!tpu.dma_semaphore, #tpu.memory_space<semaphore_mem>>)
      %dma_start3A_193 = arith.constant 128 : i32
      %dma_start3A_194 = tpu.memref_slice %arg7[%dma_start3A_193] : memref<1024xf32, #tpu.memory_space<vmem>> -> memref<128xf32, #tpu.memory_space<vmem>>
      %dma_start3A_195 = arith.constant 128 : i32
      %dma_start3A_196 = tpu.memref_slice %arg8[%dma_start3A_195] : memref<1024xi32, #tpu.memory_space<vmem>> -> memref<128xi32, #tpu.memory_space<vmem>>
      %dma_start3A_197 = arith.constant 0 : i32
      %dma_start3A_198 = tpu.memref_slice %arg4[%dma_start3A_197] : memref<51200000xf32, #tpu.memory_space<hbm>> -> memref<51200000xf32, #tpu.memory_space<hbm>>
      tpu.enqueue_indirect_dma source(%dma_start3A_194 : memref<128xf32, #tpu.memory_space<vmem>>) target(%dma_start3A_198 : memref<51200000xf32, #tpu.memory_space<hbm>>) offsets(%dma_start3A_196 : memref<128xi32, #tpu.memory_space<vmem>>) semaphore(%arg11 : memref<!tpu.dma_semaphore, #tpu.memory_space<semaphore_mem>>)
      %dma_start3A_199 = arith.constant 256 : i32
      %dma_start3A_200 = tpu.memref_slice %arg7[%dma_start3A_199] : memref<1024xf32, #tpu.memory_space<vmem>> -> memref<128xf32, #tpu.memory_space<vmem>>
      %dma_start3A_201 = arith.constant 256 : i32
      %dma_start3A_202 = tpu.memref_slice %arg8[%dma_start3A_201] : memref<1024xi32, #tpu.memory_space<vmem>> -> memref<128xi32, #tpu.memory_space<vmem>>
      %dma_start3A_203 = arith.constant 0 : i32
      %dma_start3A_204 = tpu.memref_slice %arg4[%dma_start3A_203] : memref<51200000xf32, #tpu.memory_space<hbm>> -> memref<51200000xf32, #tpu.memory_space<hbm>>
      tpu.enqueue_indirect_dma source(%dma_start3A_200 : memref<128xf32, #tpu.memory_space<vmem>>) target(%dma_start3A_204 : memref<51200000xf32, #tpu.memory_space<hbm>>) offsets(%dma_start3A_202 : memref<128xi32, #tpu.memory_space<vmem>>) semaphore(%arg11 : memref<!tpu.dma_semaphore, #tpu.memory_space<semaphore_mem>>)
      %dma_start3A_205 = arith.constant 384 : i32
      %dma_start3A_206 = tpu.memref_slice %arg7[%dma_start3A_205] : memref<1024xf32, #tpu.memory_space<vmem>> -> memref<128xf32, #tpu.memory_space<vmem>>
      %dma_start3A_207 = arith.constant 384 : i32
      %dma_start3A_208 = tpu.memref_slice %arg8[%dma_start3A_207] : memref<1024xi32, #tpu.memory_space<vmem>> -> memref<128xi32, #tpu.memory_space<vmem>>
      %dma_start3A_209 = arith.constant 0 : i32
      %dma_start3A_210 = tpu.memref_slice %arg4[%dma_start3A_209] : memref<51200000xf32, #tpu.memory_space<hbm>> -> memref<51200000xf32, #tpu.memory_space<hbm>>
      tpu.enqueue_indirect_dma source(%dma_start3A_206 : memref<128xf32, #tpu.memory_space<vmem>>) target(%dma_start3A_210 : memref<51200000xf32, #tpu.memory_space<hbm>>) offsets(%dma_start3A_208 : memref<128xi32, #tpu.memory_space<vmem>>) semaphore(%arg11 : memref<!tpu.dma_semaphore, #tpu.memory_space<semaphore_mem>>)
      %dma_start3A_211 = arith.constant 512 : i32
      %dma_start3A_212 = tpu.memref_slice %arg7[%dma_start3A_211] : memref<1024xf32, #tpu.memory_space<vmem>> -> memref<128xf32, #tpu.memory_space<vmem>>
      %dma_start3A_213 = arith.constant 512 : i32
      %dma_start3A_214 = tpu.memref_slice %arg8[%dma_start3A_213] : memref<1024xi32, #tpu.memory_space<vmem>> -> memref<128xi32, #tpu.memory_space<vmem>>
      %dma_start3A_215 = arith.constant 0 : i32
      %dma_start3A_216 = tpu.memref_slice %arg4[%dma_start3A_215] : memref<51200000xf32, #tpu.memory_space<hbm>> -> memref<51200000xf32, #tpu.memory_space<hbm>>
      tpu.enqueue_indirect_dma source(%dma_start3A_212 : memref<128xf32, #tpu.memory_space<vmem>>) target(%dma_start3A_216 : memref<51200000xf32, #tpu.memory_space<hbm>>) offsets(%dma_start3A_214 : memref<128xi32, #tpu.memory_space<vmem>>) semaphore(%arg11 : memref<!tpu.dma_semaphore, #tpu.memory_space<semaphore_mem>>)
      %dma_start3A_217 = arith.constant 640 : i32
      %dma_start3A_218 = tpu.memref_slice %arg7[%dma_start3A_217] : memref<1024xf32, #tpu.memory_space<vmem>> -> memref<128xf32, #tpu.memory_space<vmem>>
      %dma_start3A_219 = arith.constant 640 : i32
      %dma_start3A_220 = tpu.memref_slice %arg8[%dma_start3A_219] : memref<1024xi32, #tpu.memory_space<vmem>> -> memref<128xi32, #tpu.memory_space<vmem>>
      %dma_start3A_221 = arith.constant 0 : i32
      %dma_start3A_222 = tpu.memref_slice %arg4[%dma_start3A_221] : memref<51200000xf32, #tpu.memory_space<hbm>> -> memref<51200000xf32, #tpu.memory_space<hbm>>
      tpu.enqueue_indirect_dma source(%dma_start3A_218 : memref<128xf32, #tpu.memory_space<vmem>>) target(%dma_start3A_222 : memref<51200000xf32, #tpu.memory_space<hbm>>) offsets(%dma_start3A_220 : memref<128xi32, #tpu.memory_space<vmem>>) semaphore(%arg11 : memref<!tpu.dma_semaphore, #tpu.memory_space<semaphore_mem>>)
      %dma_start3A_223 = arith.constant 768 : i32
      %dma_start3A_224 = tpu.memref_slice %arg7[%dma_start3A_223] : memref<1024xf32, #tpu.memory_space<vmem>> -> memref<128xf32, #tpu.memory_space<vmem>>
      %dma_start3A_225 = arith.constant 768 : i32
      %dma_start3A_226 = tpu.memref_slice %arg8[%dma_start3A_225] : memref<1024xi32, #tpu.memory_space<vmem>> -> memref<128xi32, #tpu.memory_space<vmem>>
      %dma_start3A_227 = arith.constant 0 : i32
      %dma_start3A_228 = tpu.memref_slice %arg4[%dma_start3A_227] : memref<51200000xf32, #tpu.memory_space<hbm>> -> memref<51200000xf32, #tpu.memory_space<hbm>>
      tpu.enqueue_indirect_dma source(%dma_start3A_224 : memref<128xf32, #tpu.memory_space<vmem>>) target(%dma_start3A_228 : memref<51200000xf32, #tpu.memory_space<hbm>>) offsets(%dma_start3A_226 : memref<128xi32, #tpu.memory_space<vmem>>) semaphore(%arg11 : memref<!tpu.dma_semaphore, #tpu.memory_space<semaphore_mem>>)
      %dma_start3A_229 = arith.constant 896 : i32
      %dma_start3A_230 = tpu.memref_slice %arg7[%dma_start3A_229] : memref<1024xf32, #tpu.memory_space<vmem>> -> memref<128xf32, #tpu.memory_space<vmem>>
      %dma_start3A_231 = arith.constant 896 : i32
      %dma_start3A_232 = tpu.memref_slice %arg8[%dma_start3A_231] : memref<1024xi32, #tpu.memory_space<vmem>> -> memref<128xi32, #tpu.memory_space<vmem>>
      %dma_start3A_233 = arith.constant 0 : i32
      %dma_start3A_234 = tpu.memref_slice %arg4[%dma_start3A_233] : memref<51200000xf32, #tpu.memory_space<hbm>> -> memref<51200000xf32, #tpu.memory_space<hbm>>
      tpu.enqueue_indirect_dma source(%dma_start3A_230 : memref<128xf32, #tpu.memory_space<vmem>>) target(%dma_start3A_234 : memref<51200000xf32, #tpu.memory_space<hbm>>) offsets(%dma_start3A_232 : memref<128xi32, #tpu.memory_space<vmem>>) semaphore(%arg11 : memref<!tpu.dma_semaphore, #tpu.memory_space<semaphore_mem>>)
      %dma_wait3A_235 = arith.constant 0 : i32
      %dma_wait3A_236 = tpu.memref_slice %arg7[%dma_wait3A_235] : memref<1024xf32, #tpu.memory_space<vmem>> -> memref<128xf32, #tpu.memory_space<vmem>>
      %dma_wait3A_237 = arith.constant 0 : i32
      %dma_wait3A_238 = tpu.memref_slice %arg8[%dma_wait3A_237] : memref<1024xi32, #tpu.memory_space<vmem>> -> memref<128xi32, #tpu.memory_space<vmem>>
      %dma_wait3A_239 = arith.constant 0 : i32
      %dma_wait3A_240 = tpu.memref_slice %arg4[%dma_wait3A_239] : memref<51200000xf32, #tpu.memory_space<hbm>> -> memref<51200000xf32, #tpu.memory_space<hbm>>
      tpu.wait_indirect_dma semaphore(%arg11 : memref<!tpu.dma_semaphore, #tpu.memory_space<semaphore_mem>>) src(%dma_wait3A_236 : memref<128xf32, #tpu.memory_space<vmem>>) dst(%dma_wait3A_240 : memref<51200000xf32, #tpu.memory_space<hbm>>)
      %dma_wait3A_241 = arith.constant 128 : i32
      %dma_wait3A_242 = tpu.memref_slice %arg7[%dma_wait3A_241] : memref<1024xf32, #tpu.memory_space<vmem>> -> memref<128xf32, #tpu.memory_space<vmem>>
      %dma_wait3A_243 = arith.constant 128 : i32
      %dma_wait3A_244 = tpu.memref_slice %arg8[%dma_wait3A_243] : memref<1024xi32, #tpu.memory_space<vmem>> -> memref<128xi32, #tpu.memory_space<vmem>>
      %dma_wait3A_245 = arith.constant 0 : i32
      %dma_wait3A_246 = tpu.memref_slice %arg4[%dma_wait3A_245] : memref<51200000xf32, #tpu.memory_space<hbm>> -> memref<51200000xf32, #tpu.memory_space<hbm>>
      tpu.wait_indirect_dma semaphore(%arg11 : memref<!tpu.dma_semaphore, #tpu.memory_space<semaphore_mem>>) src(%dma_wait3A_242 : memref<128xf32, #tpu.memory_space<vmem>>) dst(%dma_wait3A_246 : memref<51200000xf32, #tpu.memory_space<hbm>>)
      %dma_wait3A_247 = arith.constant 256 : i32
      %dma_wait3A_248 = tpu.memref_slice %arg7[%dma_wait3A_247] : memref<1024xf32, #tpu.memory_space<vmem>> -> memref<128xf32, #tpu.memory_space<vmem>>
      %dma_wait3A_249 = arith.constant 256 : i32
      %dma_wait3A_250 = tpu.memref_slice %arg8[%dma_wait3A_249] : memref<1024xi32, #tpu.memory_space<vmem>> -> memref<128xi32, #tpu.memory_space<vmem>>
      %dma_wait3A_251 = arith.constant 0 : i32
      %dma_wait3A_252 = tpu.memref_slice %arg4[%dma_wait3A_251] : memref<51200000xf32, #tpu.memory_space<hbm>> -> memref<51200000xf32, #tpu.memory_space<hbm>>
      tpu.wait_indirect_dma semaphore(%arg11 : memref<!tpu.dma_semaphore, #tpu.memory_space<semaphore_mem>>) src(%dma_wait3A_248 : memref<128xf32, #tpu.memory_space<vmem>>) dst(%dma_wait3A_252 : memref<51200000xf32, #tpu.memory_space<hbm>>)
      %dma_wait3A_253 = arith.constant 384 : i32
      %dma_wait3A_254 = tpu.memref_slice %arg7[%dma_wait3A_253] : memref<1024xf32, #tpu.memory_space<vmem>> -> memref<128xf32, #tpu.memory_space<vmem>>
      %dma_wait3A_255 = arith.constant 384 : i32
      %dma_wait3A_256 = tpu.memref_slice %arg8[%dma_wait3A_255] : memref<1024xi32, #tpu.memory_space<vmem>> -> memref<128xi32, #tpu.memory_space<vmem>>
      %dma_wait3A_257 = arith.constant 0 : i32
      %dma_wait3A_258 = tpu.memref_slice %arg4[%dma_wait3A_257] : memref<51200000xf32, #tpu.memory_space<hbm>> -> memref<51200000xf32, #tpu.memory_space<hbm>>
      tpu.wait_indirect_dma semaphore(%arg11 : memref<!tpu.dma_semaphore, #tpu.memory_space<semaphore_mem>>) src(%dma_wait3A_254 : memref<128xf32, #tpu.memory_space<vmem>>) dst(%dma_wait3A_258 : memref<51200000xf32, #tpu.memory_space<hbm>>)
      %dma_wait3A_259 = arith.constant 512 : i32
      %dma_wait3A_260 = tpu.memref_slice %arg7[%dma_wait3A_259] : memref<1024xf32, #tpu.memory_space<vmem>> -> memref<128xf32, #tpu.memory_space<vmem>>
      %dma_wait3A_261 = arith.constant 512 : i32
      %dma_wait3A_262 = tpu.memref_slice %arg8[%dma_wait3A_261] : memref<1024xi32, #tpu.memory_space<vmem>> -> memref<128xi32, #tpu.memory_space<vmem>>
      %dma_wait3A_263 = arith.constant 0 : i32
      %dma_wait3A_264 = tpu.memref_slice %arg4[%dma_wait3A_263] : memref<51200000xf32, #tpu.memory_space<hbm>> -> memref<51200000xf32, #tpu.memory_space<hbm>>
      tpu.wait_indirect_dma semaphore(%arg11 : memref<!tpu.dma_semaphore, #tpu.memory_space<semaphore_mem>>) src(%dma_wait3A_260 : memref<128xf32, #tpu.memory_space<vmem>>) dst(%dma_wait3A_264 : memref<51200000xf32, #tpu.memory_space<hbm>>)
      %dma_wait3A_265 = arith.constant 640 : i32
      %dma_wait3A_266 = tpu.memref_slice %arg7[%dma_wait3A_265] : memref<1024xf32, #tpu.memory_space<vmem>> -> memref<128xf32, #tpu.memory_space<vmem>>
      %dma_wait3A_267 = arith.constant 640 : i32
      %dma_wait3A_268 = tpu.memref_slice %arg8[%dma_wait3A_267] : memref<1024xi32, #tpu.memory_space<vmem>> -> memref<128xi32, #tpu.memory_space<vmem>>
      %dma_wait3A_269 = arith.constant 0 : i32
      %dma_wait3A_270 = tpu.memref_slice %arg4[%dma_wait3A_269] : memref<51200000xf32, #tpu.memory_space<hbm>> -> memref<51200000xf32, #tpu.memory_space<hbm>>
      tpu.wait_indirect_dma semaphore(%arg11 : memref<!tpu.dma_semaphore, #tpu.memory_space<semaphore_mem>>) src(%dma_wait3A_266 : memref<128xf32, #tpu.memory_space<vmem>>) dst(%dma_wait3A_270 : memref<51200000xf32, #tpu.memory_space<hbm>>)
      %dma_wait3A_271 = arith.constant 768 : i32
      %dma_wait3A_272 = tpu.memref_slice %arg7[%dma_wait3A_271] : memref<1024xf32, #tpu.memory_space<vmem>> -> memref<128xf32, #tpu.memory_space<vmem>>
      %dma_wait3A_273 = arith.constant 768 : i32
      %dma_wait3A_274 = tpu.memref_slice %arg8[%dma_wait3A_273] : memref<1024xi32, #tpu.memory_space<vmem>> -> memref<128xi32, #tpu.memory_space<vmem>>
      %dma_wait3A_275 = arith.constant 0 : i32
      %dma_wait3A_276 = tpu.memref_slice %arg4[%dma_wait3A_275] : memref<51200000xf32, #tpu.memory_space<hbm>> -> memref<51200000xf32, #tpu.memory_space<hbm>>
      tpu.wait_indirect_dma semaphore(%arg11 : memref<!tpu.dma_semaphore, #tpu.memory_space<semaphore_mem>>) src(%dma_wait3A_272 : memref<128xf32, #tpu.memory_space<vmem>>) dst(%dma_wait3A_276 : memref<51200000xf32, #tpu.memory_space<hbm>>)
      %dma_wait3A_277 = arith.constant 896 : i32
      %dma_wait3A_278 = tpu.memref_slice %arg7[%dma_wait3A_277] : memref<1024xf32, #tpu.memory_space<vmem>> -> memref<128xf32, #tpu.memory_space<vmem>>
      %dma_wait3A_279 = arith.constant 896 : i32
      %dma_wait3A_280 = tpu.memref_slice %arg8[%dma_wait3A_279] : memref<1024xi32, #tpu.memory_space<vmem>> -> memref<128xi32, #tpu.memory_space<vmem>>
      %dma_wait3A_281 = arith.constant 0 : i32
      %dma_wait3A_282 = tpu.memref_slice %arg4[%dma_wait3A_281] : memref<51200000xf32, #tpu.memory_space<hbm>> -> memref<51200000xf32, #tpu.memory_space<hbm>>
      tpu.wait_indirect_dma semaphore(%arg11 : memref<!tpu.dma_semaphore, #tpu.memory_space<semaphore_mem>>) src(%dma_wait3A_278 : memref<128xf32, #tpu.memory_space<vmem>>) dst(%dma_wait3A_282 : memref<51200000xf32, #tpu.memory_space<hbm>>)
    }
    return
  }
}

</mosaic_0001>

<sc_bundles>
// kernel: kernel.3.cloned.1.call-start
scs
__scs_entry_jumppad:
0x0: {  	(pc) =	sbr.rel $0x88, $3  }
0x1: {  	(tag) =	ssettag $0x0;
	lr =	simm.s32 $0x1  }
0x2: {  	[smem:$0x3F9F] =	sst lr;
	_ =	strace $0xD0000000  }
0x3: {  	_ = 	snop  }
0x4: {  	_ = 	snop  }
0x5: {  	_ = 	snop  }
0x6: {  	_ = 	snop  }
0x7: {  	_ = 	snop  }
__scs_overlays_trampoline_lowered:
0x8: {  	[smem:$0x3FAE] =	sst s0  }
0x9: {  	[smem:$0x3FAF] =	sst s1  }
0xa: {  	[smem:$0x3FB0] =	sst s2  }
0xb: {  	[smem:$0x3FB1] =	sst s3  }
0xc: {  	[smem:$0x3FB2] =	sst s4  }
0xd: {  	[smem:$0x3FB3] =	sst s5  }
0xe: {  	[smem:$0x3FB4] =	sst s6  }
0xf: {  	[smem:$0x3FB5] =	sst s7  }
0x10: {  	[smem:$0x3FB6] =	sst s8  }
0x11: {  	[smem:$0x3FB7] =	sst s9;
	s0 =	simm.s32 @!p0 $0x0  }
0x12: {  	s1 =	sld [smem:$0x3F9D];
	s0 =	simm.s32 @p0 $0x1  }
0x13: {  	[smem:$0x3FB8] =	sst s0;
	s0 =	simm.s32 @!p1 $0x0  }
0x14: {  	s2 =	sld [smem:$0x3F9C];
	s0 =	simm.s32 @p1 $0x1  }
0x15: {  	[smem:$0x3FB9] =	sst s0;
	s0 =	simm.s32 @!p2 $0x0  }
0x16: {  	s3 =	sld [smem:$0x3FDB];
	s0 =	simm.s32 @p2 $0x1  }
0x17: {  	s4 =	simm.s32 $0x1BF5;
	[smem:$0x3FBB] =	sst s0  }
0x18: {  	s0 =	sld [smem:$0x3F9E];
	_ =	swait.ge [sflag:s4], $0x0  }
0x19: {  	s7 =	sld [smem:$0x3F9F]  }
0x1a: {  	s8 =	sadd.s32 $0xFFFFE003, lr  }
0x1b: {  	s9 =	sadd.s32 $0xFFFFFEF7, lr;
	s5 =	simm.s32 $0xFFFFFFFF;
	p2 =	slt.u32 s8, $0xFFFFF086  }
0x1c: {  	p1 =	slt.u32 s9, $0xF7A;
	s5 =	simm.s32 @!p2 $0x0  }
0x1d: {  	s5 =	simm.s32 @p1 $0x1;
	p0 =	seq.s32 s7, s2  }
0x1e: {  	s7 =	smul.u32 @!p0 $0xF7A, s2;
	p2 =	seq.s32 @!p0 s5, $0x0  }
0x1f: {  	s9 =	smul.u32 $0xF7A, s1;
	s8 =	simm.s32 @!p0 $0x1BF5;
	p2 =	por !p2, p0  }
0x20: {  	[sflag:s8] =	ssyncset.s32 @!p0 $0xFFFFF086;
	s6 =	sadd.s32 @!p0 s3, s7;
	s7 =	simm.s32 @!p0 $0x108  }
0x21: {  	s3 =	sadd.s32 s3, s9;
	s6 =	sadd.s32 @!p0 $0x88, s6;
	s7 =	simm.s32 @p2 $0x1082  }
0x22: {  	[simem:s7], [sflag:s8] =	dma.local @!p0 [hbm:s6], $0xF7A  }
0x23: {  	s9 =	sor.u32 $0xD0000000, s2;
	s6 =	simm.s32 $0x108;
	_ =	swait.ge @!p0 [sflag:s8], $0x0  }
0x24: {  	s3 =	sadd.s32 $0x88, s3;
	s6 =	simm.s32 @!p1 $0x1082;
	[sflag:s4] =	ssyncset.s32 $0xFFFFF086  }
0x25: {  	[simem:s6], [sflag:s4] =	dma.local [hbm:s3], $0xF7A  }
0x26: {  	[smem:$0x3F9F] =	sst s1;
	(tag) =	ssettag s2;
	_ =	strace s9  }
0x27: {  	s1 =	sld [smem:$0x3FAF]  }
0x28: {  	s2 =	sld [smem:$0x3FB0]  }
0x29: {  	s4 =	sld [smem:$0x3FB2]  }
0x2a: {  	p0 =	seq.s32 s5, $0x0;
	s5 =	sld [smem:$0x3FB3]  }
0x2b: {  	s6 =	sld [smem:$0x3FB4]  }
0x2c: {  	s7 =	sld [smem:$0x3FB5]  }
0x2d: {  	s3 =	simm.s32 $0x108;
	s8 =	sld [smem:$0x3FB6]  }
0x2e: {  	s3 =	simm.s32 @!p0 $0x1082;
	s9 =	sld [smem:$0x3FB7]  }
0x2f: {  	lr =	sadd.s32 s0, s3;
	s0 =	sld [smem:$0x3FAE]  }
0x30: {  	s3 =	sld [smem:$0x3FB1]  }
0x31: {  	[smem:$0x3FBA] =	sst s10  }
0x32: {  	s10 =	sld [smem:$0x3FB8];
	_ =	sdelay $0x3  }
0x33: {  	p0 =	seq.s32 s10, $0x1;
	s10 =	sld [smem:$0x3FBA];
	_ =	sdelay $0x3  }
0x34: {  	[smem:$0x3FBA] =	sst s10  }
0x35: {  	s10 =	sld [smem:$0x3FB9];
	_ =	sdelay $0x3  }
0x36: {  	p1 =	seq.s32 s10, $0x1;
	s10 =	sld [smem:$0x3FBA];
	_ =	sdelay $0x3  }
0x37: {  	[smem:$0x3FBA] =	sst s10  }
0x38: {  	s10 =	sld [smem:$0x3FBB]  }
0x39: {  	_ = 	snop;
	(pc) =	sbr.ind lr, $3  }
0x3a: {  	_ = 	snop  }
0x3b: {  	_ = 	snop  }
0x3c: {  	p2 =	seq.s32 s10, $0x1;
	s10 =	sld [smem:$0x3FBA]  }
0x3d: {  	_ =	shalt  }
0x3e: {  	_ =	shalt  }
0x3f: {  	_ =	shalt  }
0x40: {  	_ =	shalt  }
0x41: {  	_ =	shalt  }
0x42: {  	_ =	shalt  }
0x43: {  	_ =	shalt  }
0x44: {  	_ =	shalt  }
0x45: {  	_ =	shalt  }
0x46: {  	_ =	shalt  }
0x47: {  	_ =	shalt  }
0x48: {  	_ =	shalt  }
0x49: {  	_ =	shalt  }
0x4a: {  	_ =	shalt  }
0x4b: {  	_ =	shalt  }
0x4c: {  	_ =	shalt  }
0x4d: {  	_ =	shalt  }
0x4e: {  	_ =	shalt  }
0x4f: {  	_ =	shalt  }
0x50: {  	_ =	shalt  }
0x51: {  	_ =	shalt  }
0x52: {  	_ =	shalt  }
0x53: {  	_ =	shalt  }
0x54: {  	_ =	shalt  }
0x55: {  	_ =	shalt  }
0x56: {  	_ =	shalt  }
0x57: {  	_ =	shalt  }
0x58: {  	_ =	shalt  }
0x59: {  	_ =	shalt  }
0x5a: {  	_ =	shalt  }
0x5b: {  	_ =	shalt  }
0x5c: {  	_ =	shalt  }
0x5d: {  	_ =	shalt  }
0x5e: {  	_ =	shalt  }
0x5f: {  	_ =	shalt  }
0x60: {  	_ =	shalt  }
0x61: {  	_ =	shalt  }
0x62: {  	_ =	shalt  }
0x63: {  	_ =	shalt  }
0x64: {  	_ =	shalt  }
0x65: {  	_ =	shalt  }
0x66: {  	_ =	shalt  }
0x67: {  	_ =	shalt  }
0x68: {  	_ =	shalt  }
0x69: {  	_ =	shalt  }
0x6a: {  	_ =	shalt  }
0x6b: {  	_ =	shalt  }
0x6c: {  	_ =	shalt  }
0x6d: {  	_ =	shalt  }
0x6e: {  	_ =	shalt  }
0x6f: {  	_ =	shalt  }
0x70: {  	_ =	shalt  }
0x71: {  	_ =	shalt  }
0x72: {  	_ =	shalt  }
0x73: {  	_ =	shalt  }
0x74: {  	_ =	shalt  }
0x75: {  	_ =	shalt  }
0x76: {  	_ =	shalt  }
0x77: {  	_ =	shalt  }
0x78: {  	_ =	shalt  }
0x79: {  	_ =	shalt  }
0x7a: {  	_ =	shalt  }
0x7b: {  	_ =	shalt  }
0x7c: {  	_ =	shalt  }
0x7d: {  	_ =	shalt  }
0x7e: {  	_ =	shalt  }
0x7f: {  	_ =	shalt  }
0x80: {  	_ =	shalt  }
0x81: {  	_ =	shalt  }
0x82: {  	_ =	shalt  }
0x83: {  	_ =	shalt  }
0x84: {  	_ =	shalt  }
0x85: {  	_ =	shalt  }
0x86: {  	_ =	shalt  }
0x87: {  	_ =	shalt  }
.Lfunc_end0:
.L_simem_size_0:
called_computation_lowered:
.L_overlay_start_0:
0x88: {  	s2 =	sld [smem:$0x3FD9]  }
0x89: {  	s3 =	sld [smem:$0x3FFE];
	_ =	sdelay $0x1  }
0x8a: {  	s1 =	srdreg.scid  }
0x8b: {  	s0 =	sand.u32 $0x1, s1  }
0x8c: {  	s17 =	sshll.u32 s0, $0xA;
	s2 =	sadd.s32 s3, s2  }
0x8d: {  	s2 =	sadd.s32 s2, s17  }
0x8e: {  	[smem:$0x3FC6] =	sst s2  }
0x8f: {  	_ = 	snop  }
0x90: {  	s2 =	sld [smem:$0x3FC9]  }
0x91: {  	s18 =	sld [smem:$0x3FC8];
	(tm) =	ssettm $0x1  }
0x92: {  	s4 =	sld [smem:$0x3FFB];
	_ =	sdelay $0x3  }
0x93: {  	_ =	strace s4  }
0x94: {  	s4 =	sld [smem:$0x3FFC];
	_ =	sdelay $0x3  }
0x95: {  	_ =	strace s4  }
0x96: {  	s4 =	sld [smem:$0x3FFD];
	_ =	sdelay $0x3  }
0x97: {  	_ =	strace s4  }
0x98: {  	_ =	strace $0x8FFFFFFF  }
0x99: {  	s19 =	sld [smem:$0x3FDB];
	_ =	sdelay $0x1  }
0x9a: {  	s5 =	simm.s32 $_scs_section_size  }
0x9b: {  	s6 =	simm.s32 $_size__tile_overlayer_lowered;
	s7 =	simm.s32 $_tile_overlayer_lowered  }
0x9c: {  	s22 =	simm.s32 $0x1BFF;
	s21 =	sshll.u32 s7, $0x1;
	s4 =	sadd.s32 s5, s19  }
0x9d: {  	s8 =	simm.s32 $0x0;
	s20 =	sshll.u32 s6, $0x1;
	s6 =	sadd.s32 s21, s4  }
0x9e: {  	[timem:s8], [sflag:s22] =	dma.local [hbm:s6], s20  }
0x9f: {  	_ =	swait.ge [sflag:s22], s20  }
0xa0: {  	s5 =	ssub.s32 $0x0, s20;
	[sflag:s22] =	ssyncset.done $0x0  }
0xa1: {  	[sflag:s22] =	ssyncadd.s32 s5;
	_ =	sdelay $0x1  }
0xa2: {  	s23 =	simm.s32 $0x1B8B  }
0xa3: {  	_ =	swait.ge [sflag:s23], $0x1  }
0xa4: {  	[sflag:s23] =	ssyncset.done $0x0  }
0xa5: {  	s25 =	simm.s32 $0x1B8E;
	s24 =	sld [smem:$0x3FFE];
	[sflag:s23] =	ssyncadd.s32 $0xFFFFFFFF  }
0xa6: {  	s26 =	simm.s32 $execute0_lowered;
	[smem:$0x3FD2] =	sst s25  }
0xa7: {  	s6 =	sshll.u32 s26, $0x1;
	_ =	strace $0x80000046;
	[dreg:$0x1] =	wrdreg $0xFFFFFFFF  }
0xa8: {  	s28 =	simm.s32 $_size_execute0_lowered;
	s4 =	sadd.s32 s4, s6;
	[dreg:$0x0] =	wrdreg $0x0  }
0xa9: {  	s6 =	sshll.u32 s28, $0x1;
	[dreg:$0x2] =	wrdreg s4  }
0xaa: {  	[dreg:$0x3] =	wrdreg s6  }
0xab: {  	[dreg:$0x4] =	wrdreg $0xC0  }
0xac: {  	_ =	task [dreg:s8], $0x5FFFF  }
0xad: {  	[dreg:$0x1] =	wrdreg $0xFFFFFFFF  }
0xae: {  	[dreg:$0x0] =	wrdreg $0x60  }
0xaf: {  	[dreg:$0x2] =	wrdreg s2  }
0xb0: {  	[dreg:$0x3] =	wrdreg s18  }
0xb1: {  	[dreg:$0x4] =	wrdreg s24  }
0xb2: {  	[dreg:$0x5] =	wrdreg $0x9  }
0xb3: {  	_ =	task.clear_ibuf [dreg:s8], $0x6FFFF;
	_ =	strace $0x90000046  }
0xb4: {  	s29 =	simm.s32 $0x9;
	_ =	strace $0x80000048  }
0xb5: {  	_ =	swait.ge [sflag:s29], $0x1  }
0xb6: {  	[sflag:s29] =	ssyncadd.s32 $0xFFFFFFFF  }
0xb7: {  	_ =	strace $0x90000048  }
0xb8: {  	_ =	sfence  }
0xb9: {  	s30 =	sld [smem:$0x0];
	_ =	sdelay $0x2  }
0xba: {  	s31 =	sshll.u32 s1, $0xD;
	s1 =	sshrl.u32 s1, $0x2  }
0xbb: {  	s3 =	sand.u32 $0x4000, s31;
	s1 =	sadd.s32 s1, s30  }
0xbc: {  	s0 =	sor.u32 s3, s0;
	s1 =	sshll.u32 s1, $0x11  }
0xbd: {  	s0 =	sor.u32 s1, s0  }
0xbe: {  	s0 =	sadd.s32 $0x8F2B, s0  }
0xbf: {  	[sflag:s0] =	ssyncadd.remote.s32 $0x1  }
0xc0: {  	_ =	sfence.sel $0xFFFF  }
0xc1: {  	[dreg:$0x0] =	wrdreg $0xFFFFFFFF;
	(pc) =	sbr.abs _section_cstart, $3  }
0xc2: {  	[dreg:$0x1] =	wrdreg $0xFFFFFFFF  }
0xc3: {  	_ =	task.clear_ibuf [dreg:s8], $0x2FFFF;
	_ =	strace $0x9FFFFFFF  }
0xc4: {  	(tm) =	ssettm $0x7FFFFFFF  }
0xc5: {  	_ =	shalt  }
tec
execute0_lowered:
.L_overlay_start_1:
0x0: {  	(tag) =	ssettag $0x1  }
0x1: {  	s1 =	rddreg [dreg:$0x0]  }
0x2: {  	s0 =	srdreg.scid;
	s3 =	rddreg [dreg:$0x1]  }
0x3: {  	s2 =	stileid.u32;
	s5 =	rddreg [dreg:$0x2];
	s4 =	simm.s32 $0x0  }
0x4: {  	s9 =	simm.s32 $0x80;
	s10 =	simm.s32 $0x400;
	s11 =	simm.s32 $0xFE00  }
0x5: {  	s12 =	simm.s32 $0x2;
	s13 =	simm.s32 $0x1;
	s14 =	simm.s32 $0x10200  }
0x6: {  	s15 =	simm.s32 $0x10280;
	s16 =	simm.s32 $0xFE80;
	s17 =	simm.s32 $0x10300  }
0x7: {  	s18 =	simm.s32 $0xFF00;
	s19 =	simm.s32 $0x10380;
	s20 =	simm.s32 $0xFF80  }
0x8: {  	s21 =	simm.s32 $0x10400;
	s22 =	simm.s32 $0x10000;
	s23 =	simm.s32 $0x10480  }
0x9: {  	s24 =	simm.s32 $0x10080;
	s0 =	sand.u32 $0x1, s0;
	s2 =	sshll.u32 s2, $0x1  }
0xa: {  	s25 =	simm.s32 $0x10500;
	s26 =	simm.s32 $0x10100;
	s2 =	sor.u32 s0, s2  }
0xb: {  	s28 =	simm.s32 $0x10580;
	s0 =	ssub.s32 $0x2, s0;
	s2 =	smul.u32 $0x32, s2  }
.Ltmp0:
0xc: {  	s29 =	simm.s32 $0x10180;
	s6 =	sshrl.u32 s0, $0x1;
	(pc) =	sbr.rel .LBB2_1-.Ltmp0, $4  }
0xd: {  	s30 =	simm.s32 $0x3;
	[smem:$0x7FF] =	sst s4;
	s0 =	ssub.s32 s0, s6  }
0xe: {  	_ =	strace $0x80000047;
	s7 =	sadd.s32 $0x32, s2;
	s0 =	smax.u32 s0, $0x1  }
0xf: {  	s2 =	sshrl.u32 s2, $0x5;
	s6 =	sshrl.u32 s7, $0x5;
	[dreg:$0x5] =	wrdreg s0  }
0x10: {  	v0 =	vimm.f32 $0.0e+00;
	v1 =	vlaneseq.u32;
	s7 =	sadd.s32 $0x400, s5;
	[dreg:$0x4] =	wrdreg s2;
	p0 =	slt.u32 s2, s6  }
.LBB2_7:
0x11: {  	s4 =	sadd.s32 $0x1, s4;
	s0 =	rddreg [dreg:$0x5]  }
0x12: {  	p1 =	sne.s32 s4, s0  }
.Ltmp1:
0x13: {  	_ = 	snop;
	(pc) =	sbr.rel @!p1 .LBB2_8-.Ltmp1, $1  }
0x14: {  	_ =	sdelay $0x3  }
.LBB2_1:
0x15: {  	s0 =	simm.s32 $0x40;
	s2 =	simm.s32 $0x0  }
.LBB2_2:
0x16: {  	p1 =	seq.s32 s0, $0x3E7C0;
	[tilespmem:s2+$0x0] =	vst v0;
	s2 =	smov.u32 s0;
	s0 =	sadd.s32 $0x40, s0  }
.Ltmp2:
0x17: {  	(pc) =	sbr.rel @!p1 .LBB2_2-.Ltmp2, $2  }
0x18: {  	_ =	sdelay $0x2  }
0x19: {  	s2 =	sshra.s32 s2, $0x2  }
.Ltmp3:
0x1a: {  	(pc) =	sbr.rel @!p0 .LBB2_7-.Ltmp3, $2  }
0x1b: {  	_ =	sdelay $0x2  }
0x1c: {  	[tilespmem:s2+$0x0] =	vst v0;
	s31 =	rddreg [dreg:$0x4]  }
.LBB2_4:
0x1d: {  	s0 =	smul.u32 $0xFA000, s31;
	_ =	sdelay $0x1  }
0x1e: {  	s0 =	sshrl.u32 s0, $0x3  }
0x1f: {  	s2 =	simm.s32 $0x0;
	s0 =	sadd.s32 s7, s0  }
0x20: {  	[hbm4b:s0+s2] =	stream.linear.scatter [tilespmem:s2], [sflag:$0x1], $0xFA00, $0x38;
	[tilespmem:$0x10600] =	vst v63  }
0x21: {  	s5 =	sadd.s32 $0x1F40, s0  }
0x22: {  	[hbm4b:s5+s2] =	stream.linear.scatter [tilespmem:s2], [sflag:$0x1], $0xFA00, $0x38;
	[tilespmem:$0x10600] =	vst v63  }
0x23: {  	s8 =	sadd.s32 $0x3E80, s0  }
0x24: {  	[hbm4b:s8+s2] =	stream.linear.scatter [tilespmem:s2], [sflag:$0x1], $0xFA00, $0x38;
	[tilespmem:$0x10600] =	vst v63  }
0x25: {  	s8 =	sadd.s32 $0x5DC0, s0  }
0x26: {  	[hbm4b:s8+s2] =	stream.linear.scatter [tilespmem:s2], [sflag:$0x1], $0xFA00, $0x38;
	[tilespmem:$0x10600] =	vst v63  }
0x27: {  	s8 =	sadd.s32 $0x7D00, s0  }
0x28: {  	[hbm4b:s8+s2] =	stream.linear.scatter [tilespmem:s2], [sflag:$0x1], $0xFA00, $0x38;
	[tilespmem:$0x10600] =	vst v63  }
0x29: {  	s8 =	sadd.s32 $0x9C40, s0  }
0x2a: {  	[hbm4b:s8+s2] =	stream.linear.scatter [tilespmem:s2], [sflag:$0x1], $0xFA00, $0x38;
	[tilespmem:$0x10600] =	vst v63  }
0x2b: {  	s8 =	sadd.s32 $0xBB80, s0  }
0x2c: {  	[hbm4b:s8+s2] =	stream.linear.scatter [tilespmem:s2], [sflag:$0x1], $0xFA00, $0x38;
	[tilespmem:$0x10600] =	vst v63  }
0x2d: {  	s8 =	sadd.s32 $0xDAC0, s0  }
0x2e: {  	[hbm4b:s8+s2] =	stream.linear.scatter [tilespmem:s2], [sflag:$0x1], $0xFA00, $0x38;
	[tilespmem:$0x10600] =	vst v63  }
0x2f: {  	s8 =	sadd.s32 $0xFA00, s0  }
0x30: {  	[hbm4b:s8+s2] =	stream.linear.scatter [tilespmem:s2], [sflag:$0x1], $0xFA00, $0x38;
	[tilespmem:$0x10600] =	vst v63  }
0x31: {  	s8 =	sadd.s32 $0x11940, s0  }
0x32: {  	[hbm4b:s8+s2] =	stream.linear.scatter [tilespmem:s2], [sflag:$0x1], $0xFA00, $0x38;
	[tilespmem:$0x10600] =	vst v63  }
0x33: {  	s8 =	sadd.s32 $0x13880, s0  }
0x34: {  	[hbm4b:s8+s2] =	stream.linear.scatter [tilespmem:s2], [sflag:$0x1], $0xFA00, $0x38;
	[tilespmem:$0x10600] =	vst v63  }
0x35: {  	s8 =	sadd.s32 $0x157C0, s0  }
0x36: {  	[hbm4b:s8+s2] =	stream.linear.scatter [tilespmem:s2], [sflag:$0x1], $0xFA00, $0x38;
	[tilespmem:$0x10600] =	vst v63  }
0x37: {  	s8 =	sadd.s32 $0x17700, s0  }
0x38: {  	[hbm4b:s8+s2] =	stream.linear.scatter [tilespmem:s2], [sflag:$0x1], $0xFA00, $0x38;
	[tilespmem:$0x10600] =	vst v63  }
0x39: {  	s8 =	sadd.s32 $0x19640, s0  }
0x3a: {  	[hbm4b:s8+s2] =	stream.linear.scatter [tilespmem:s2], [sflag:$0x1], $0xFA00, $0x38;
	[tilespmem:$0x10600] =	vst v63  }
0x3b: {  	s8 =	sadd.s32 $0x1B580, s0  }
0x3c: {  	[hbm4b:s8+s2] =	stream.linear.scatter [tilespmem:s2], [sflag:$0x1], $0xFA00, $0x38;
	[tilespmem:$0x10600] =	vst v63  }
0x3d: {  	s5 =	sshll.u32 s31, $0xA;
	s0 =	sadd.s32 $0x1D4C0, s0;
	s8 =	sshll.u32 s31, $0x7  }
0x3e: {  	[hbm4b:s0+s2] =	stream.linear.scatter [tilespmem:s2], [sflag:$0x1], $0xFA00, $0x38;
	[tilespmem:$0x10600] =	vst v63  }
0x3f: {  	s0 =	sand.u32 $0x7FFFE000, s5;
	s5 =	sand.u32 $0x380, s8  }
0x40: {  	s0 =	sor.u32 s5, s0  }
0x41: {  	s0 =	sshrl.u32 s0, $0x3  }
0x42: {  	s8 =	simm.s32 $0xFA00;
	s5 =	sadd.s32 s1, s0  }
0x43: {  	[tilespmem:s8], [sflag:$0x2] =	stream.strided.gather [hbm4b:s5+s9], $0x400, s10, s9, $0x38;
	[tilespmem:$0x10600] =	vst v63  }
0x44: {  	s0 =	sadd.s32 s3, s0  }
0x45: {  	[tilespmem:s11], [sflag:$0x2] =	stream.strided.gather [hbm4b:s0+s9], $0x400, s10, s9, $0x38;
	[tilespmem:$0x10600] =	vst v63  }
0x46: {  	_ =	swait.ge [sflag:s12], $0x400  }
0x47: {  	[sflag:s12] =	ssyncset.done $0x0  }
0x48: {  	[sflag:s12] =	ssyncadd.s32 $0xFFFFFC00  }
0x49: {  	_ =	swait.ge [sflag:s12], $0x400  }
0x4a: {  	[sflag:s12] =	ssyncset.done $0x0  }
0x4b: {  	[sflag:s12] =	ssyncadd.s32 $0xFFFFFC00  }
0x4c: {  	v3 =	vld [tilespmem:s8+$0x0];
	_ =	sdelay $0x1  }
0x4d: {  	s8 =	smul.u32 $0x3E8, s31;
	_ =	sdelay $0x1  }
0x4e: {  	v2 =	vmov s8  }
0x4f: {  	v3 =	vadd.s32 v2, v3  }
0x50: {  	v3 =	vshll.u32 v3, $0xA  }
0x51: {  	v3 =	vadd.s32 s2, v3  }
0x52: {  	s2 =	simm.s32 $0x10200;
	v3 =	vadd.s32 v1, v3  }
0x53: {  	s8 =	simm.s32 $0xFA10;
	[tilespmem:s2+$0x0] =	vst v3  }
0x54: {  	s5 =	simm.s32 $0x20;
	s0 =	simm.s32 $0x10;
	v3 =	vld [tilespmem:s8+$0x0]  }
.LBB2_5:
0x55: {  	p1 =	sne.s32 s5, $0x3F0;
	_ =	sdelay $0x3  }
0x56: {  	v3 =	vadd.s32 v2, v3  }
.Ltmp4:
0x57: {  	v3 =	vshll.u32 v3, $0xA;
	(pc) =	sbr.rel @p1 .LBB2_5-.Ltmp4, $4  }
0x58: {  	v3 =	vadd.s32 s0, v3;
	s0 =	smov.u32 s5  }
0x59: {  	s2 =	sadd.s32 $0x10, s2;
	v3 =	vadd.s32 v1, v3  }
0x5a: {  	s8 =	sadd.s32 $0x10, s8;
	[tilespmem:s2+$0x0] =	vst v3  }
0x5b: {  	s5 =	sadd.s32 $0x10, s5;
	v3 =	vld [tilespmem:s8+$0x0]  }
0x5c: {  	_ =	sdelay $0x3  }
0x5d: {  	v2 =	vadd.s32 v2, v3  }
0x5e: {  	v2 =	vshll.u32 v2, $0xA  }
0x5f: {  	v2 =	vadd.s32 s0, v2  }
0x60: {  	s8 =	sadd.s32 $0x10, s2;
	v2 =	vadd.s32 v1, v2  }
0x61: {  	[tilespmem:s8+$0x0] =	vst v2  }
0x62: {  	_ =	swait.ge [sflag:s13], $0xFA00  }
0x63: {  	[sflag:s13] =	ssyncset.done $0x0  }
0x64: {  	[sflag:s13] =	ssyncadd.s32 $0xFFFF0600  }
0x65: {  	_ =	swait.ge [sflag:s13], $0xFA00  }
0x66: {  	[sflag:s13] =	ssyncset.done $0x0  }
0x67: {  	[sflag:s13] =	ssyncadd.s32 $0xFFFF0600  }
0x68: {  	_ =	swait.ge [sflag:s13], $0xFA00  }
0x69: {  	[sflag:s13] =	ssyncset.done $0x0  }
0x6a: {  	[sflag:s13] =	ssyncadd.s32 $0xFFFF0600  }
0x6b: {  	_ =	swait.ge [sflag:s13], $0xFA00  }
0x6c: {  	[sflag:s13] =	ssyncset.done $0x0  }
0x6d: {  	[sflag:s13] =	ssyncadd.s32 $0xFFFF0600  }
0x6e: {  	_ =	swait.ge [sflag:s13], $0xFA00  }
0x6f: {  	[sflag:s13] =	ssyncset.done $0x0  }
0x70: {  	[sflag:s13] =	ssyncadd.s32 $0xFFFF0600  }
0x71: {  	_ =	swait.ge [sflag:s13], $0xFA00  }
0x72: {  	[sflag:s13] =	ssyncset.done $0x0  }
0x73: {  	[sflag:s13] =	ssyncadd.s32 $0xFFFF0600  }
0x74: {  	_ =	swait.ge [sflag:s13], $0xFA00  }
0x75: {  	[sflag:s13] =	ssyncset.done $0x0  }
0x76: {  	[sflag:s13] =	ssyncadd.s32 $0xFFFF0600  }
0x77: {  	_ =	swait.ge [sflag:s13], $0xFA00  }
0x78: {  	[sflag:s13] =	ssyncset.done $0x0  }
0x79: {  	[sflag:s13] =	ssyncadd.s32 $0xFFFF0600  }
0x7a: {  	_ =	swait.ge [sflag:s13], $0xFA00  }
0x7b: {  	[sflag:s13] =	ssyncset.done $0x0  }
0x7c: {  	[sflag:s13] =	ssyncadd.s32 $0xFFFF0600  }
0x7d: {  	_ =	swait.ge [sflag:s13], $0xFA00  }
0x7e: {  	[sflag:s13] =	ssyncset.done $0x0  }
0x7f: {  	[sflag:s13] =	ssyncadd.s32 $0xFFFF0600  }
0x80: {  	_ =	swait.ge [sflag:s13], $0xFA00  }
0x81: {  	[sflag:s13] =	ssyncset.done $0x0  }
0x82: {  	[sflag:s13] =	ssyncadd.s32 $0xFFFF0600  }
0x83: {  	_ =	swait.ge [sflag:s13], $0xFA00  }
0x84: {  	[sflag:s13] =	ssyncset.done $0x0  }
0x85: {  	[sflag:s13] =	ssyncadd.s32 $0xFFFF0600  }
0x86: {  	_ =	swait.ge [sflag:s13], $0xFA00  }
0x87: {  	[sflag:s13] =	ssyncset.done $0x0  }
0x88: {  	[sflag:s13] =	ssyncadd.s32 $0xFFFF0600  }
0x89: {  	_ =	swait.ge [sflag:s13], $0xFA00  }
0x8a: {  	[sflag:s13] =	ssyncset.done $0x0  }
0x8b: {  	[sflag:s13] =	ssyncadd.s32 $0xFFFF0600  }
0x8c: {  	_ =	swait.ge [sflag:s13], $0xFA00  }
0x8d: {  	[sflag:s13] =	ssyncset.done $0x0  }
0x8e: {  	[sflag:s13] =	ssyncadd.s32 $0xFFFF0600  }
0x8f: {  	_ =	swait.ge [sflag:s13], $0xFA00  }
0x90: {  	[sflag:s13] =	ssyncset.done $0x0  }
0x91: {  	[sflag:s13] =	ssyncadd.s32 $0xFFFF0600  }
0x92: {  	[hbm4b:s7+s9] =	stream.indirect.scatter [tilespmem:s11], [sflag:$0x3], $0x1, s14, s9, $0xb8;
	[tilespmem:$0x10600] =	vst v63  }
0x93: {  	_ = 	snop  }
0x94: {  	[hbm4b:s7+s9] =	stream.indirect.scatter [tilespmem:s16], [sflag:$0x3], $0x1, s15, s9, $0xb8;
	[tilespmem:$0x10600] =	vst v63  }
0x95: {  	_ = 	snop  }
0x96: {  	[hbm4b:s7+s9] =	stream.indirect.scatter [tilespmem:s18], [sflag:$0x3], $0x1, s17, s9, $0xb8;
	[tilespmem:$0x10600] =	vst v63  }
0x97: {  	_ = 	snop  }
0x98: {  	[hbm4b:s7+s9] =	stream.indirect.scatter [tilespmem:s20], [sflag:$0x3], $0x1, s19, s9, $0xb8;
	[tilespmem:$0x10600] =	vst v63  }
0x99: {  	_ = 	snop  }
0x9a: {  	[hbm4b:s7+s9] =	stream.indirect.scatter [tilespmem:s22], [sflag:$0x3], $0x1, s21, s9, $0xb8;
	[tilespmem:$0x10600] =	vst v63  }
0x9b: {  	_ = 	snop  }
0x9c: {  	[hbm4b:s7+s9] =	stream.indirect.scatter [tilespmem:s24], [sflag:$0x3], $0x1, s23, s9, $0xb8;
	[tilespmem:$0x10600] =	vst v63  }
0x9d: {  	_ = 	snop  }
0x9e: {  	[hbm4b:s7+s9] =	stream.indirect.scatter [tilespmem:s26], [sflag:$0x3], $0x1, s25, s9, $0xb8;
	[tilespmem:$0x10600] =	vst v63  }
0x9f: {  	_ = 	snop  }
0xa0: {  	[hbm4b:s7+s9] =	stream.indirect.scatter [tilespmem:s29], [sflag:$0x3], $0x1, s28, s9, $0xb8;
	[tilespmem:$0x10600] =	vst v63  }
0xa1: {  	_ =	swait.ge [sflag:s30], $0x80  }
0xa2: {  	[sflag:s30] =	ssyncset.done $0x0  }
0xa3: {  	[sflag:s30] =	ssyncadd.s32 $0xFFFFFF80  }
0xa4: {  	_ =	swait.ge [sflag:s30], $0x80  }
0xa5: {  	[sflag:s30] =	ssyncset.done $0x0  }
0xa6: {  	[sflag:s30] =	ssyncadd.s32 $0xFFFFFF80  }
0xa7: {  	_ =	swait.ge [sflag:s30], $0x80  }
0xa8: {  	[sflag:s30] =	ssyncset.done $0x0  }
0xa9: {  	[sflag:s30] =	ssyncadd.s32 $0xFFFFFF80  }
0xaa: {  	_ =	swait.ge [sflag:s30], $0x80  }
0xab: {  	[sflag:s30] =	ssyncset.done $0x0  }
0xac: {  	[sflag:s30] =	ssyncadd.s32 $0xFFFFFF80  }
0xad: {  	_ =	swait.ge [sflag:s30], $0x80  }
0xae: {  	[sflag:s30] =	ssyncset.done $0x0  }
0xaf: {  	[sflag:s30] =	ssyncadd.s32 $0xFFFFFF80  }
0xb0: {  	_ =	swait.ge [sflag:s30], $0x80  }
0xb1: {  	[sflag:s30] =	ssyncset.done $0x0  }
0xb2: {  	s31 =	sadd.s32 $0x1, s31;
	[sflag:s30] =	ssyncadd.s32 $0xFFFFFF80  }
0xb3: {  	p1 =	slt.u32 s31, s6;
	_ =	swait.ge [sflag:s30], $0x80  }
.Ltmp5:
0xb4: {  	[sflag:s30] =	ssyncset.done $0x0;
	(pc) =	sbr.rel @p1 .LBB2_4-.Ltmp5, $4  }
.Ltmp6:
0xb5: {  	[sflag:s30] =	ssyncadd.s32 $0xFFFFFF80;
	(pc) =	sbr.rel @!p1 .LBB2_7-.Ltmp6, $4  }
0xb6: {  	_ =	swait.ge [sflag:s30], $0x80  }
0xb7: {  	[sflag:s30] =	ssyncset.done $0x0  }
0xb8: {  	[sflag:s30] =	ssyncadd.s32 $0xFFFFFF80  }
0xb9: {  	_ = 	snop  }
.LBB2_8:
0xba: {  	_ =	sfence.sel $0x180000  }
0xbb: {  	[bflag:$0x0] =	sbarrier.arrive $0xFFFF  }
0xbc: {  	_ =	strace $0x90000047  }
0xbd: {  	s0 =	stileid.u32;
	[bflag:$0x2] =	sbarrier.arrive $0xFFFF  }
0xbe: {  	p0 =	sne.s32 s0, $0x0;
	s0 =	rddreg [dreg:$0x3]  }
0xbf: {  	s0 =	sadd.s32 @!p0 $0x100000, s0  }
0xc0: {  	[sflag:s0] =	ssyncadd.tile.s32 @!p0 $0x1;
	_ =	shalt  }
.Lfunc_end2:
_tile_overlayer_lowered:
.L_overlay_start_2:
0xc1: {  	(tag) =	ssettag $0x2  }
0xc2: {  	s0 =	rddreg [dreg:$0x0];
	s2 =	stileid.u32  }
0xc3: {  	s1 =	rddreg [dreg:$0x1];
	p0 =	sne.s32 s2, $0x0  }
0xc4: {  	s3 =	rddreg [dreg:$0x2];
	[bflag:$0x3] =	sbarrier.arrive $0xFFFF;
	s2 =	simm.s32 @!p0 $0x1C04  }
0xc5: {  	[timem:s3], [sflag:s2] =	dma.local @!p0 [hbm:s0], s1  }
0xc6: {  	s0 =	simm.s32 @!p0 $0x4  }
0xc7: {  	_ =	swait.ge @!p0 [sflag:s0], s1  }
0xc8: {  	s1 =	ssub.s32 @!p0 $0x0, s1;
	[sflag:s0] =	ssyncset.done @!p0 $0x0  }
0xc9: {  	[sflag:s0] =	ssyncadd.s32 @!p0 s1  }
0xca: {  	[bflag:$0x3] =	sbarrier.arrive $0xFFFF  }
0xcb: {  	_ =	shalt  }

</sc_bundles>
